<compile_context>
chip_gen: v7x
topology: tpu7x:2x2x1
jax: 0.10.2.dev20260603
libtpu: 0.0.44.dev20260713+nightly
codegen_flags: <defaults>
</compile_context>

<pallas_src>
import jax
import jax.numpy as jnp
from jax import lax
from jax.experimental import pallas as pl
from jax.experimental.pallas import tpu as pltpu
from jax.experimental.pallas import tpu_sc as plsc

NUM_CORES = 2
NUM_SUBCORES = 16
NUM_WORKERS = NUM_CORES * NUM_SUBCORES

BATCH = 16384
PER_TEAM = 50
EMBED_DIM = 64
B_PER_WORKER = BATCH // NUM_WORKERS
CB = 256
HALVES = B_PER_WORKER // CB
NBUF = 4
NUNITS = PER_TEAM * HALVES
NGROUPS = NUNITS // NBUF


def _gather_kernel(table_hbm, idxt_hbm, out_hbm, idx_v, dense_v, gsems,
                   wsems):
    wid = lax.axis_index("s") * NUM_CORES + lax.axis_index("c")
    b0 = wid * B_PER_WORKER

    pltpu.sync_copy(idxt_hbm.at[:, pl.ds(b0, B_PER_WORKER)], idx_v)

    def fire_gather(u, b):
        p, h = u // HALVES, u % HALVES
        pltpu.async_copy(table_hbm.at[idx_v.at[p, pl.ds(h * CB, CB)]],
                         dense_v.at[b], gsems.at[b])

    def wait_gather(b):
        pltpu.make_async_copy(table_hbm.at[pl.ds(0, CB)], dense_v.at[b],
                              gsems.at[b]).wait()

    def fire_wb(u, b):
        p, h = u // HALVES, u % HALVES
        pltpu.async_copy(dense_v.at[b],
                         out_hbm.at[p, pl.ds(b0 + h * CB, CB)], wsems.at[b])

    def wait_wb(b):
        pltpu.make_async_copy(dense_v.at[b], out_hbm.at[0, pl.ds(0, CB)],
                              wsems.at[b]).wait()

    for b in range(NBUF):
        fire_gather(b, b)

    def group(g, carry):
        for b in range(NBUF):
            u = g * NBUF + b
            wait_gather(b)
            fire_wb(u, b)
            wait_wb(b)
            fire_gather(u + NBUF, b)
        return carry

    lax.fori_loop(0, NGROUPS - 1, group, 0, unroll=False)

    for b in range(NBUF):
        u = (NGROUPS - 1) * NBUF + b
        wait_gather(b)
        fire_wb(u, b)
    for b in range(NBUF):
        wait_wb(b)


@jax.jit
def _embed(champion_ids, table):
    mesh = plsc.VectorSubcoreMesh(core_axis_name="c", subcore_axis_name="s")
    run = pl.kernel(
        _gather_kernel,
        out_type=jax.ShapeDtypeStruct((PER_TEAM, BATCH, EMBED_DIM),
                                      jnp.float32),
        mesh=mesh,
        scratch_types=[
            pltpu.VMEM((PER_TEAM, B_PER_WORKER), jnp.int32),
            pltpu.VMEM((NBUF, CB, EMBED_DIM), jnp.float32),
            pltpu.SemaphoreType.DMA((NBUF,)),
            pltpu.SemaphoreType.DMA((NBUF,)),
        ],
        compiler_params=pltpu.CompilerParams(use_tc_tiling_on_sc=False),
    )
    ids_t = champion_ids.astype(jnp.int32).T
    x = run(table, ids_t)
    return jnp.transpose(x, (1, 0, 2))


def kernel(champion_ids, table):
    return _embed(champion_ids, table)

# --- scband reference (transcript-rebuilt; emitter-appended) ---
"""Pipeline reference for scband-champion-embedding-85495618994607 (READ-ONLY COPY).

The authoritative reference and input builder live on the scoring server;
editing this copy changes nothing except your own understanding.
"""

import jax, jax.numpy as jnp
import numpy as np

NUM_EMBEDDINGS = 100001  # num_champions + 1
EMBED_DIM = 64
BATCH = 16384
PER_TEAM = 50
PADDING_IDX = 0


def setup_inputs(seed: int = 0) -> dict:
    key = jax.random.key(seed)
    k_idx, k_tab = jax.random.split(key)
    champion_ids = jax.random.randint(k_idx, (BATCH, PER_TEAM), 0, NUM_EMBEDDINGS)
    table = jax.random.normal(k_tab, (NUM_EMBEDDINGS, EMBED_DIM), dtype=jnp.float32)
    # nn.Embedding with padding_idx zero-initializes that row
    table = table.at[PADDING_IDX].set(0.0)
    return {"champion_ids": champion_ids, "table": table}


def reference(champion_ids, table):
    # embedding lookup: (B, P) -> (B, P, D)
    return jnp.take(table, champion_ids, axis=0)

if __name__ == "__main__":
    import jax
    _d = setup_inputs()
    print(jax.jit(kernel)(*tuple(_d.values())))

</pallas_src>

<mosaic_0001>
#map = affine_map<(d0, d1) -> (0, 0)>
#map1 = affine_map<(d0, d1) -> (0, 0, 0)>
module attributes {stable_mosaic.version = 14 : i64} {
  func.func @_gather_kernel(%arg0: i32, %arg1: i32, %arg2: memref<100001x64xf32, #tpu.memory_space<hbm>>, %arg3: memref<50x16384xi32, #tpu.memory_space<hbm>>, %arg4: memref<50x16384x64xf32, #tpu.memory_space<hbm>>, %arg5: memref<50x512xi32, #tpu.memory_space<vmem>>, %arg6: memref<4x256x64xf32, #tpu.memory_space<vmem>>, %arg7: memref<4x!tpu.dma_semaphore, #tpu.memory_space<semaphore_mem>>, %arg8: memref<4x!tpu.dma_semaphore, #tpu.memory_space<semaphore_mem>>) attributes {dimension_semantics = [#tpu.dimension_semantics<core_parallel>, #tpu.dimension_semantics<subcore_parallel>], iteration_bounds = array<i64: 2, 16>, scalar_prefetch = 0 : i64, scratch_operands = 4 : i64, tpu.core_type = #tpu.core_type<sc_vector_subcore>, window_params = [{transform_indices = #map}, {transform_indices = #map}, {transform_indices = #map1}]} {
    %mul3A = arith.constant 2 : i32
    %mul3A_0 = arith.muli %arg1, %mul3A : i32
    %add3A = arith.addi %mul3A_0, %arg0 : i32
    %mul3A_1 = arith.constant 512 : i32
    %mul3A_2 = arith.muli %add3A, %mul3A_1 : i32
    "tpu.region"() ({
      %run_scoped3A = tpu.sem_alloc : memref<!tpu.dma_semaphore, #tpu.memory_space<semaphore_mem>>
      %dma_start3A_306 = arith.constant 0 : i32
      %dma_start3A_307 = tpu.memref_slice %arg3[%dma_start3A_306, %mul3A_2] : memref<50x16384xi32, #tpu.memory_space<hbm>> -> memref<50x512xi32, #tpu.memory_space<hbm>>
      %dma_start3A_308 = arith.constant 0 : i32
      %dma_start3A_309 = tpu.memref_slice %arg3[%dma_start3A_308, %mul3A_2] : memref<50x16384xi32, #tpu.memory_space<hbm>> -> memref<50x512xi32, #tpu.memory_space<hbm>>
      tpu.enqueue_dma source(%dma_start3A_309 : memref<50x512xi32, #tpu.memory_space<hbm>>) target(%arg5 : memref<50x512xi32, #tpu.memory_space<vmem>>) target_semaphore(%run_scoped3A : memref<!tpu.dma_semaphore, #tpu.memory_space<semaphore_mem>>)
      %dma_wait3A_310 = arith.constant 0 : i32
      %dma_wait3A_311 = tpu.memref_slice %arg3[%dma_wait3A_310, %mul3A_2] : memref<50x16384xi32, #tpu.memory_space<hbm>> -> memref<50x512xi32, #tpu.memory_space<hbm>>
      %dma_wait3A_312 = arith.constant 0 : i32
      %dma_wait3A_313 = tpu.memref_slice %arg3[%dma_wait3A_312, %mul3A_2] : memref<50x16384xi32, #tpu.memory_space<hbm>> -> memref<50x512xi32, #tpu.memory_space<hbm>>
      tpu.wait_dma2 semaphore(%run_scoped3A : memref<!tpu.dma_semaphore, #tpu.memory_space<semaphore_mem>>) src(%dma_wait3A_313 : memref<50x512xi32, #tpu.memory_space<hbm>>) dst(%arg5 : memref<50x512xi32, #tpu.memory_space<vmem>>)
      tpu.yield
    }) : () -> ()
    %dma_start3A = arith.constant 0 : i32
    %dma_start3A_3 = arith.constant 0 : i32
    %dma_start3A_4 = arith.constant 0 : i32
    %dma_start3A_5 = arith.constant 0 : i32
    %dma_start3A_6 = arith.constant 0 : i32
    %dma_start3A_7 = tpu.memref_slice %arg6[%dma_start3A_3, %dma_start3A_5, %dma_start3A_6] : memref<4x256x64xf32, #tpu.memory_space<vmem>> -> memref<1x256x64xf32, #tpu.memory_space<vmem>>
    %dma_start3A_8 = tpu.memref_squeeze %dma_start3A_7 : memref<1x256x64xf32, #tpu.memory_space<vmem>> -> memref<256x64xf32, #tpu.memory_space<vmem>>
    %dma_start3A_9 = arith.constant 0 : i32
    %dma_start3A_10 = tpu.memref_slice %arg5[%dma_start3A, %dma_start3A_9] : memref<50x512xi32, #tpu.memory_space<vmem>> -> memref<1x256xi32, #tpu.memory_space<vmem>>
    %dma_start3A_11 = tpu.memref_squeeze %dma_start3A_10 : memref<1x256xi32, #tpu.memory_space<vmem>> -> memref<256xi32, #tpu.memory_space<vmem>>
    %dma_start3A_12 = arith.constant 0 : i32
    %dma_start3A_13 = arith.constant 0 : i32
    %dma_start3A_14 = tpu.memref_slice %arg2[%dma_start3A_12, %dma_start3A_13] : memref<100001x64xf32, #tpu.memory_space<hbm>> -> memref<100001x64xf32, #tpu.memory_space<hbm>>
    %dma_start3A_15 = tpu.memref_slice %arg7[%dma_start3A_4] : memref<4x!tpu.dma_semaphore, #tpu.memory_space<semaphore_mem>> -> memref<1x!tpu.dma_semaphore, #tpu.memory_space<semaphore_mem>>
    %dma_start3A_16 = tpu.memref_squeeze %dma_start3A_15 : memref<1x!tpu.dma_semaphore, #tpu.memory_space<semaphore_mem>> -> memref<!tpu.dma_semaphore, #tpu.memory_space<semaphore_mem>>
    tpu.enqueue_indirect_dma source(%dma_start3A_14 : memref<100001x64xf32, #tpu.memory_space<hbm>>) target(%dma_start3A_8 : memref<256x64xf32, #tpu.memory_space<vmem>>) offsets(%dma_start3A_11 : memref<256xi32, #tpu.memory_space<vmem>>) semaphore(%dma_start3A_16 : memref<!tpu.dma_semaphore, #tpu.memory_space<semaphore_mem>>)
    %dma_start3A_17 = arith.constant 0 : i32
    %dma_start3A_18 = arith.constant 1 : i32
    %dma_start3A_19 = arith.constant 1 : i32
    %dma_start3A_20 = arith.constant 0 : i32
    %dma_start3A_21 = arith.constant 0 : i32
    %dma_start3A_22 = tpu.memref_slice %arg6[%dma_start3A_18, %dma_start3A_20, %dma_start3A_21] : memref<4x256x64xf32, #tpu.memory_space<vmem>> -> memref<1x256x64xf32, #tpu.memory_space<vmem>>
    %dma_start3A_23 = tpu.memref_squeeze %dma_start3A_22 : memref<1x256x64xf32, #tpu.memory_space<vmem>> -> memref<256x64xf32, #tpu.memory_space<vmem>>
    %dma_start3A_24 = arith.constant 256 : i32
    %dma_start3A_25 = tpu.memref_slice %arg5[%dma_start3A_17, %dma_start3A_24] : memref<50x512xi32, #tpu.memory_space<vmem>> -> memref<1x256xi32, #tpu.memory_space<vmem>>
    %dma_start3A_26 = tpu.memref_squeeze %dma_start3A_25 : memref<1x256xi32, #tpu.memory_space<vmem>> -> memref<256xi32, #tpu.memory_space<vmem>>
    %dma_start3A_27 = arith.constant 0 : i32
    %dma_start3A_28 = arith.constant 0 : i32
    %dma_start3A_29 = tpu.memref_slice %arg2[%dma_start3A_27, %dma_start3A_28] : memref<100001x64xf32, #tpu.memory_space<hbm>> -> memref<100001x64xf32, #tpu.memory_space<hbm>>
    %dma_start3A_30 = tpu.memref_slice %arg7[%dma_start3A_19] : memref<4x!tpu.dma_semaphore, #tpu.memory_space<semaphore_mem>> -> memref<1x!tpu.dma_semaphore, #tpu.memory_space<semaphore_mem>>
    %dma_start3A_31 = tpu.memref_squeeze %dma_start3A_30 : memref<1x!tpu.dma_semaphore, #tpu.memory_space<semaphore_mem>> -> memref<!tpu.dma_semaphore, #tpu.memory_space<semaphore_mem>>
    tpu.enqueue_indirect_dma source(%dma_start3A_29 : memref<100001x64xf32, #tpu.memory_space<hbm>>) target(%dma_start3A_23 : memref<256x64xf32, #tpu.memory_space<vmem>>) offsets(%dma_start3A_26 : memref<256xi32, #tpu.memory_space<vmem>>) semaphore(%dma_start3A_31 : memref<!tpu.dma_semaphore, #tpu.memory_space<semaphore_mem>>)
    %dma_start3A_32 = arith.constant 1 : i32
    %dma_start3A_33 = arith.constant 2 : i32
    %dma_start3A_34 = arith.constant 2 : i32
    %dma_start3A_35 = arith.constant 0 : i32
    %dma_start3A_36 = arith.constant 0 : i32
    %dma_start3A_37 = tpu.memref_slice %arg6[%dma_start3A_33, %dma_start3A_35, %dma_start3A_36] : memref<4x256x64xf32, #tpu.memory_space<vmem>> -> memref<1x256x64xf32, #tpu.memory_space<vmem>>
    %dma_start3A_38 = tpu.memref_squeeze %dma_start3A_37 : memref<1x256x64xf32, #tpu.memory_space<vmem>> -> memref<256x64xf32, #tpu.memory_space<vmem>>
    %dma_start3A_39 = arith.constant 0 : i32
    %dma_start3A_40 = tpu.memref_slice %arg5[%dma_start3A_32, %dma_start3A_39] : memref<50x512xi32, #tpu.memory_space<vmem>> -> memref<1x256xi32, #tpu.memory_space<vmem>>
    %dma_start3A_41 = tpu.memref_squeeze %dma_start3A_40 : memref<1x256xi32, #tpu.memory_space<vmem>> -> memref<256xi32, #tpu.memory_space<vmem>>
    %dma_start3A_42 = arith.constant 0 : i32
    %dma_start3A_43 = arith.constant 0 : i32
    %dma_start3A_44 = tpu.memref_slice %arg2[%dma_start3A_42, %dma_start3A_43] : memref<100001x64xf32, #tpu.memory_space<hbm>> -> memref<100001x64xf32, #tpu.memory_space<hbm>>
    %dma_start3A_45 = tpu.memref_slice %arg7[%dma_start3A_34] : memref<4x!tpu.dma_semaphore, #tpu.memory_space<semaphore_mem>> -> memref<1x!tpu.dma_semaphore, #tpu.memory_space<semaphore_mem>>
    %dma_start3A_46 = tpu.memref_squeeze %dma_start3A_45 : memref<1x!tpu.dma_semaphore, #tpu.memory_space<semaphore_mem>> -> memref<!tpu.dma_semaphore, #tpu.memory_space<semaphore_mem>>
    tpu.enqueue_indirect_dma source(%dma_start3A_44 : memref<100001x64xf32, #tpu.memory_space<hbm>>) target(%dma_start3A_38 : memref<256x64xf32, #tpu.memory_space<vmem>>) offsets(%dma_start3A_41 : memref<256xi32, #tpu.memory_space<vmem>>) semaphore(%dma_start3A_46 : memref<!tpu.dma_semaphore, #tpu.memory_space<semaphore_mem>>)
    %dma_start3A_47 = arith.constant 1 : i32
    %dma_start3A_48 = arith.constant 3 : i32
    %dma_start3A_49 = arith.constant 3 : i32
    %dma_start3A_50 = arith.constant 0 : i32
    %dma_start3A_51 = arith.constant 0 : i32
    %dma_start3A_52 = tpu.memref_slice %arg6[%dma_start3A_48, %dma_start3A_50, %dma_start3A_51] : memref<4x256x64xf32, #tpu.memory_space<vmem>> -> memref<1x256x64xf32, #tpu.memory_space<vmem>>
    %dma_start3A_53 = tpu.memref_squeeze %dma_start3A_52 : memref<1x256x64xf32, #tpu.memory_space<vmem>> -> memref<256x64xf32, #tpu.memory_space<vmem>>
    %dma_start3A_54 = arith.constant 256 : i32
    %dma_start3A_55 = tpu.memref_slice %arg5[%dma_start3A_47, %dma_start3A_54] : memref<50x512xi32, #tpu.memory_space<vmem>> -> memref<1x256xi32, #tpu.memory_space<vmem>>
    %dma_start3A_56 = tpu.memref_squeeze %dma_start3A_55 : memref<1x256xi32, #tpu.memory_space<vmem>> -> memref<256xi32, #tpu.memory_space<vmem>>
    %dma_start3A_57 = arith.constant 0 : i32
    %dma_start3A_58 = arith.constant 0 : i32
    %dma_start3A_59 = tpu.memref_slice %arg2[%dma_start3A_57, %dma_start3A_58] : memref<100001x64xf32, #tpu.memory_space<hbm>> -> memref<100001x64xf32, #tpu.memory_space<hbm>>
    %dma_start3A_60 = tpu.memref_slice %arg7[%dma_start3A_49] : memref<4x!tpu.dma_semaphore, #tpu.memory_space<semaphore_mem>> -> memref<1x!tpu.dma_semaphore, #tpu.memory_space<semaphore_mem>>
    %dma_start3A_61 = tpu.memref_squeeze %dma_start3A_60 : memref<1x!tpu.dma_semaphore, #tpu.memory_space<semaphore_mem>> -> memref<!tpu.dma_semaphore, #tpu.memory_space<semaphore_mem>>
    tpu.enqueue_indirect_dma source(%dma_start3A_59 : memref<100001x64xf32, #tpu.memory_space<hbm>>) target(%dma_start3A_53 : memref<256x64xf32, #tpu.memory_space<vmem>>) offsets(%dma_start3A_56 : memref<256xi32, #tpu.memory_space<vmem>>) semaphore(%dma_start3A_61 : memref<!tpu.dma_semaphore, #tpu.memory_space<semaphore_mem>>)
    %scan3A = arith.constant 0 : i32
    %scan3A_62 = arith.constant 0 : i32
    %scan3A_63 = arith.constant 24 : i32
    %scan3A_64 = arith.addi %scan3A_62, %scan3A_63 : i32
    %scan3A_65 = arith.constant 1 : i32
    scf.for %scan3A_306 = %scan3A_62 to %scan3A_64 step %scan3A_65  : i32 {
      %mul3A_307 = arith.constant 4 : i32
      %mul3A_308 = arith.muli %scan3A_306, %mul3A_307 : i32
      %add3A_309 = arith.constant 0 : i32
      %add3A_310 = arith.addi %mul3A_308, %add3A_309 : i32
      %dma_wait3A_311 = arith.constant 0 : i32
      %dma_wait3A_312 = arith.constant 0 : i32
      %dma_wait3A_313 = arith.constant 0 : i32
      %dma_wait3A_314 = arith.constant 0 : i32
      %dma_wait3A_315 = tpu.memref_slice %arg6[%dma_wait3A_311, %dma_wait3A_313, %dma_wait3A_314] : memref<4x256x64xf32, #tpu.memory_space<vmem>> -> memref<1x256x64xf32, #tpu.memory_space<vmem>>
      %dma_wait3A_316 = tpu.memref_squeeze %dma_wait3A_315 : memref<1x256x64xf32, #tpu.memory_space<vmem>> -> memref<256x64xf32, #tpu.memory_space<vmem>>
      %dma_wait3A_317 = arith.constant 0 : i32
      %dma_wait3A_318 = arith.constant 0 : i32
      %dma_wait3A_319 = tpu.memref_slice %arg2[%dma_wait3A_317, %dma_wait3A_318] : memref<100001x64xf32, #tpu.memory_space<hbm>> -> memref<256x64xf32, #tpu.memory_space<hbm>>
      %dma_wait3A_320 = tpu.memref_slice %arg7[%dma_wait3A_312] : memref<4x!tpu.dma_semaphore, #tpu.memory_space<semaphore_mem>> -> memref<1x!tpu.dma_semaphore, #tpu.memory_space<semaphore_mem>>
      %dma_wait3A_321 = tpu.memref_squeeze %dma_wait3A_320 : memref<1x!tpu.dma_semaphore, #tpu.memory_space<semaphore_mem>> -> memref<!tpu.dma_semaphore, #tpu.memory_space<semaphore_mem>>
      %dma_wait3A_322 = arith.constant 0 : i32
      %dma_wait3A_323 = arith.constant 0 : i32
      %dma_wait3A_324 = tpu.memref_slice %arg6[%dma_wait3A_311, %dma_wait3A_322, %dma_wait3A_323] : memref<4x256x64xf32, #tpu.memory_space<vmem>> -> memref<1x256x64xf32, #tpu.memory_space<vmem>>
      %dma_wait3A_325 = tpu.memref_squeeze %dma_wait3A_324 : memref<1x256x64xf32, #tpu.memory_space<vmem>> -> memref<256x64xf32, #tpu.memory_space<vmem>>
      %dma_wait3A_326 = arith.constant 0 : i32
      %dma_wait3A_327 = arith.constant 0 : i32
      %dma_wait3A_328 = tpu.memref_slice %arg2[%dma_wait3A_326, %dma_wait3A_327] : memref<100001x64xf32, #tpu.memory_space<hbm>> -> memref<256x64xf32, #tpu.memory_space<hbm>>
      tpu.wait_dma2 semaphore(%dma_wait3A_321 : memref<!tpu.dma_semaphore, #tpu.memory_space<semaphore_mem>>) src(%dma_wait3A_328 : memref<256x64xf32, #tpu.memory_space<hbm>>) dst(%dma_wait3A_325 : memref<256x64xf32, #tpu.memory_space<vmem>>)
      %jit3A = arith.constant 2 : i32
      %div3A = arith.divsi %add3A_310, %jit3A : i32
      %sign3A = arith.constant 0 : i32
      %sign3A_329 = arith.cmpi sgt, %add3A_310, %sign3A : i32
      %sign3A_330 = arith.extui %sign3A_329 : i1 to i32
      %sign3A_331 = arith.constant 0 : i32
      %sign3A_332 = arith.cmpi slt, %add3A_310, %sign3A_331 : i32
      %sign3A_333 = arith.extui %sign3A_332 : i1 to i32
      %sign3A_334 = arith.subi %sign3A_330, %sign3A_333 : i32
      %sign3A_335 = arith.constant 0 : i32
      %sign3A_336 = arith.cmpi sgt, %jit3A, %sign3A_335 : i32
      %sign3A_337 = arith.extui %sign3A_336 : i1 to i32
      %sign3A_338 = arith.constant 0 : i32
      %sign3A_339 = arith.cmpi slt, %jit3A, %sign3A_338 : i32
      %sign3A_340 = arith.extui %sign3A_339 : i1 to i32
      %sign3A_341 = arith.subi %sign3A_337, %sign3A_340 : i32
      %ne3A = arith.cmpi ne, %sign3A_334, %sign3A_341 : i32
      %rem3A = arith.remsi %add3A_310, %jit3A : i32
      %ne3A_342 = arith.constant 0 : i32
      %ne3A_343 = arith.cmpi ne, %rem3A, %ne3A_342 : i32
      %and3A = arith.andi %ne3A, %ne3A_343 : i1
      %sub3A = arith.constant 1 : i32
      %sub3A_344 = arith.subi %div3A, %sub3A : i32
      %select_n3A = arith.select %and3A, %sub3A_344, %div3A : i32
      %jit3A_345 = arith.constant 2 : i32
      %eq3A = arith.constant 0 : i32
      %eq3A_346 = arith.cmpi eq, %jit3A_345, %eq3A : i32
      %jit3A_347 = arith.constant 1 : i32
      %select_n3A_348 = arith.select %eq3A_346, %jit3A_347, %jit3A_345 : i32
      %rem3A_349 = arith.remsi %add3A_310, %select_n3A_348 : i32
      %ne3A_350 = arith.constant 0 : i32
      %ne3A_351 = arith.cmpi ne, %rem3A_349, %ne3A_350 : i32
      %lt3A = arith.constant 0 : i32
      %lt3A_352 = arith.cmpi slt, %rem3A_349, %lt3A : i32
      %lt3A_353 = arith.constant 0 : i32
      %lt3A_354 = arith.cmpi slt, %select_n3A_348, %lt3A_353 : i32
      %ne3A_355 = arith.xori %lt3A_352, %lt3A_354 : i1
      %and3A_356 = arith.andi %ne3A_355, %ne3A_351 : i1
      %add3A_357 = arith.addi %rem3A_349, %select_n3A_348 : i32
      %select_n3A_358 = arith.select %and3A_356, %add3A_357, %rem3A_349 : i32
      %mul3A_359 = arith.constant 256 : i32
      %mul3A_360 = arith.muli %select_n3A_358, %mul3A_359 : i32
      %add3A_361 = arith.addi %mul3A_2, %mul3A_360 : i32
      %dma_start3A_362 = arith.constant 0 : i32
      %dma_start3A_363 = arith.constant 0 : i32
      %dma_start3A_364 = arith.constant 0 : i32
      %dma_start3A_365 = arith.constant 0 : i32
      %dma_start3A_366 = tpu.memref_slice %arg6[%dma_start3A_362, %dma_start3A_364, %dma_start3A_365] : memref<4x256x64xf32, #tpu.memory_space<vmem>> -> memref<1x256x64xf32, #tpu.memory_space<vmem>>
      %dma_start3A_367 = tpu.memref_squeeze %dma_start3A_366 : memref<1x256x64xf32, #tpu.memory_space<vmem>> -> memref<256x64xf32, #tpu.memory_space<vmem>>
      %dma_start3A_368 = arith.constant 0 : i32
      %dma_start3A_369 = tpu.memref_slice %arg4[%select_n3A, %add3A_361, %dma_start3A_368] : memref<50x16384x64xf32, #tpu.memory_space<hbm>> -> memref<1x256x64xf32, #tpu.memory_space<hbm>>
      %dma_start3A_370 = tpu.memref_squeeze %dma_start3A_369 : memref<1x256x64xf32, #tpu.memory_space<hbm>> -> memref<256x64xf32, #tpu.memory_space<hbm>>
      %dma_start3A_371 = tpu.memref_slice %arg8[%dma_start3A_363] : memref<4x!tpu.dma_semaphore, #tpu.memory_space<semaphore_mem>> -> memref<1x!tpu.dma_semaphore, #tpu.memory_space<semaphore_mem>>
      %dma_start3A_372 = tpu.memref_squeeze %dma_start3A_371 : memref<1x!tpu.dma_semaphore, #tpu.memory_space<semaphore_mem>> -> memref<!tpu.dma_semaphore, #tpu.memory_space<semaphore_mem>>
      %dma_start3A_373 = arith.constant 0 : i32
      %dma_start3A_374 = tpu.memref_slice %arg4[%select_n3A, %add3A_361, %dma_start3A_373] : memref<50x16384x64xf32, #tpu.memory_space<hbm>> -> memref<1x256x64xf32, #tpu.memory_space<hbm>>
      %dma_start3A_375 = tpu.memref_squeeze %dma_start3A_374 : memref<1x256x64xf32, #tpu.memory_space<hbm>> -> memref<256x64xf32, #tpu.memory_space<hbm>>
      %dma_start3A_376 = arith.constant 0 : i32
      %dma_start3A_377 = arith.constant 0 : i32
      %dma_start3A_378 = tpu.memref_slice %arg6[%dma_start3A_362, %dma_start3A_376, %dma_start3A_377] : memref<4x256x64xf32, #tpu.memory_space<vmem>> -> memref<1x256x64xf32, #tpu.memory_space<vmem>>
      %dma_start3A_379 = tpu.memref_squeeze %dma_start3A_378 : memref<1x256x64xf32, #tpu.memory_space<vmem>> -> memref<256x64xf32, #tpu.memory_space<vmem>>
      tpu.enqueue_dma source(%dma_start3A_379 : memref<256x64xf32, #tpu.memory_space<vmem>>) target(%dma_start3A_375 : memref<256x64xf32, #tpu.memory_space<hbm>>) target_semaphore(%dma_start3A_372 : memref<!tpu.dma_semaphore, #tpu.memory_space<semaphore_mem>>)
      %dma_wait3A_380 = arith.constant 0 : i32
      %dma_wait3A_381 = arith.constant 0 : i32
      %dma_wait3A_382 = arith.constant 0 : i32
      %dma_wait3A_383 = arith.constant 0 : i32
      %dma_wait3A_384 = arith.constant 0 : i32
      %dma_wait3A_385 = tpu.memref_slice %arg6[%dma_wait3A_380, %dma_wait3A_383, %dma_wait3A_384] : memref<4x256x64xf32, #tpu.memory_space<vmem>> -> memref<1x256x64xf32, #tpu.memory_space<vmem>>
      %dma_wait3A_386 = tpu.memref_squeeze %dma_wait3A_385 : memref<1x256x64xf32, #tpu.memory_space<vmem>> -> memref<256x64xf32, #tpu.memory_space<vmem>>
      %dma_wait3A_387 = arith.constant 0 : i32
      %dma_wait3A_388 = arith.constant 0 : i32
      %dma_wait3A_389 = tpu.memref_slice %arg4[%dma_wait3A_381, %dma_wait3A_387, %dma_wait3A_388] : memref<50x16384x64xf32, #tpu.memory_space<hbm>> -> memref<1x256x64xf32, #tpu.memory_space<hbm>>
      %dma_wait3A_390 = tpu.memref_squeeze %dma_wait3A_389 : memref<1x256x64xf32, #tpu.memory_space<hbm>> -> memref<256x64xf32, #tpu.memory_space<hbm>>
      %dma_wait3A_391 = tpu.memref_slice %arg8[%dma_wait3A_382] : memref<4x!tpu.dma_semaphore, #tpu.memory_space<semaphore_mem>> -> memref<1x!tpu.dma_semaphore, #tpu.memory_space<semaphore_mem>>
      %dma_wait3A_392 = tpu.memref_squeeze %dma_wait3A_391 : memref<1x!tpu.dma_semaphore, #tpu.memory_space<semaphore_mem>> -> memref<!tpu.dma_semaphore, #tpu.memory_space<semaphore_mem>>
      %dma_wait3A_393 = arith.constant 0 : i32
      %dma_wait3A_394 = arith.constant 0 : i32
      %dma_wait3A_395 = tpu.memref_slice %arg4[%dma_wait3A_381, %dma_wait3A_393, %dma_wait3A_394] : memref<50x16384x64xf32, #tpu.memory_space<hbm>> -> memref<1x256x64xf32, #tpu.memory_space<hbm>>
      %dma_wait3A_396 = tpu.memref_squeeze %dma_wait3A_395 : memref<1x256x64xf32, #tpu.memory_space<hbm>> -> memref<256x64xf32, #tpu.memory_space<hbm>>
      %dma_wait3A_397 = arith.constant 0 : i32
      %dma_wait3A_398 = arith.constant 0 : i32
      %dma_wait3A_399 = tpu.memref_slice %arg6[%dma_wait3A_380, %dma_wait3A_397, %dma_wait3A_398] : memref<4x256x64xf32, #tpu.memory_space<vmem>> -> memref<1x256x64xf32, #tpu.memory_space<vmem>>
      %dma_wait3A_400 = tpu.memref_squeeze %dma_wait3A_399 : memref<1x256x64xf32, #tpu.memory_space<vmem>> -> memref<256x64xf32, #tpu.memory_space<vmem>>
      tpu.wait_dma2 semaphore(%dma_wait3A_392 : memref<!tpu.dma_semaphore, #tpu.memory_space<semaphore_mem>>) src(%dma_wait3A_400 : memref<256x64xf32, #tpu.memory_space<vmem>>) dst(%dma_wait3A_396 : memref<256x64xf32, #tpu.memory_space<hbm>>)
      %add3A_401 = arith.constant 4 : i32
      %add3A_402 = arith.addi %add3A_310, %add3A_401 : i32
      %jit3A_403 = arith.constant 2 : i32
      %div3A_404 = arith.divsi %add3A_402, %jit3A_403 : i32
      %sign3A_405 = arith.constant 0 : i32
      %sign3A_406 = arith.cmpi sgt, %add3A_402, %sign3A_405 : i32
      %sign3A_407 = arith.extui %sign3A_406 : i1 to i32
      %sign3A_408 = arith.constant 0 : i32
      %sign3A_409 = arith.cmpi slt, %add3A_402, %sign3A_408 : i32
      %sign3A_410 = arith.extui %sign3A_409 : i1 to i32
      %sign3A_411 = arith.subi %sign3A_407, %sign3A_410 : i32
      %sign3A_412 = arith.constant 0 : i32
      %sign3A_413 = arith.cmpi sgt, %jit3A_403, %sign3A_412 : i32
      %sign3A_414 = arith.extui %sign3A_413 : i1 to i32
      %sign3A_415 = arith.constant 0 : i32
      %sign3A_416 = arith.cmpi slt, %jit3A_403, %sign3A_415 : i32
      %sign3A_417 = arith.extui %sign3A_416 : i1 to i32
      %sign3A_418 = arith.subi %sign3A_414, %sign3A_417 : i32
      %ne3A_419 = arith.cmpi ne, %sign3A_411, %sign3A_418 : i32
      %rem3A_420 = arith.remsi %add3A_402, %jit3A_403 : i32
      %ne3A_421 = arith.constant 0 : i32
      %ne3A_422 = arith.cmpi ne, %rem3A_420, %ne3A_421 : i32
      %and3A_423 = arith.andi %ne3A_419, %ne3A_422 : i1
      %sub3A_424 = arith.constant 1 : i32
      %sub3A_425 = arith.subi %div3A_404, %sub3A_424 : i32
      %select_n3A_426 = arith.select %and3A_423, %sub3A_425, %div3A_404 : i32
      %jit3A_427 = arith.constant 2 : i32
      %eq3A_428 = arith.constant 0 : i32
      %eq3A_429 = arith.cmpi eq, %jit3A_427, %eq3A_428 : i32
      %jit3A_430 = arith.constant 1 : i32
      %select_n3A_431 = arith.select %eq3A_429, %jit3A_430, %jit3A_427 : i32
      %rem3A_432 = arith.remsi %add3A_402, %select_n3A_431 : i32
      %ne3A_433 = arith.constant 0 : i32
      %ne3A_434 = arith.cmpi ne, %rem3A_432, %ne3A_433 : i32
      %lt3A_435 = arith.constant 0 : i32
      %lt3A_436 = arith.cmpi slt, %rem3A_432, %lt3A_435 : i32
      %lt3A_437 = arith.constant 0 : i32
      %lt3A_438 = arith.cmpi slt, %select_n3A_431, %lt3A_437 : i32
      %ne3A_439 = arith.xori %lt3A_436, %lt3A_438 : i1
      %and3A_440 = arith.andi %ne3A_439, %ne3A_434 : i1
      %add3A_441 = arith.addi %rem3A_432, %select_n3A_431 : i32
      %select_n3A_442 = arith.select %and3A_440, %add3A_441, %rem3A_432 : i32
      %mul3A_443 = arith.constant 256 : i32
      %mul3A_444 = arith.muli %select_n3A_442, %mul3A_443 : i32
      %dma_start3A_445 = arith.constant 0 : i32
      %dma_start3A_446 = arith.constant 0 : i32
      %dma_start3A_447 = arith.constant 0 : i32
      %dma_start3A_448 = arith.constant 0 : i32
      %dma_start3A_449 = tpu.memref_slice %arg6[%dma_start3A_445, %dma_start3A_447, %dma_start3A_448] : memref<4x256x64xf32, #tpu.memory_space<vmem>> -> memref<1x256x64xf32, #tpu.memory_space<vmem>>
      %dma_start3A_450 = tpu.memref_squeeze %dma_start3A_449 : memref<1x256x64xf32, #tpu.memory_space<vmem>> -> memref<256x64xf32, #tpu.memory_space<vmem>>
      %dma_start3A_451 = tpu.memref_slice %arg5[%select_n3A_426, %mul3A_444] : memref<50x512xi32, #tpu.memory_space<vmem>> -> memref<1x256xi32, #tpu.memory_space<vmem>>
      %dma_start3A_452 = tpu.memref_squeeze %dma_start3A_451 : memref<1x256xi32, #tpu.memory_space<vmem>> -> memref<256xi32, #tpu.memory_space<vmem>>
      %dma_start3A_453 = arith.constant 0 : i32
      %dma_start3A_454 = arith.constant 0 : i32
      %dma_start3A_455 = tpu.memref_slice %arg2[%dma_start3A_453, %dma_start3A_454] : memref<100001x64xf32, #tpu.memory_space<hbm>> -> memref<100001x64xf32, #tpu.memory_space<hbm>>
      %dma_start3A_456 = tpu.memref_slice %arg7[%dma_start3A_446] : memref<4x!tpu.dma_semaphore, #tpu.memory_space<semaphore_mem>> -> memref<1x!tpu.dma_semaphore, #tpu.memory_space<semaphore_mem>>
      %dma_start3A_457 = tpu.memref_squeeze %dma_start3A_456 : memref<1x!tpu.dma_semaphore, #tpu.memory_space<semaphore_mem>> -> memref<!tpu.dma_semaphore, #tpu.memory_space<semaphore_mem>>
      tpu.enqueue_indirect_dma source(%dma_start3A_455 : memref<100001x64xf32, #tpu.memory_space<hbm>>) target(%dma_start3A_450 : memref<256x64xf32, #tpu.memory_space<vmem>>) offsets(%dma_start3A_452 : memref<256xi32, #tpu.memory_space<vmem>>) semaphore(%dma_start3A_457 : memref<!tpu.dma_semaphore, #tpu.memory_space<semaphore_mem>>)
      %mul3A_458 = arith.constant 4 : i32
      %mul3A_459 = arith.muli %scan3A_306, %mul3A_458 : i32
      %add3A_460 = arith.constant 1 : i32
      %add3A_461 = arith.addi %mul3A_459, %add3A_460 : i32
      %dma_wait3A_462 = arith.constant 1 : i32
      %dma_wait3A_463 = arith.constant 1 : i32
      %dma_wait3A_464 = arith.constant 0 : i32
      %dma_wait3A_465 = arith.constant 0 : i32
      %dma_wait3A_466 = tpu.memref_slice %arg6[%dma_wait3A_462, %dma_wait3A_464, %dma_wait3A_465] : memref<4x256x64xf32, #tpu.memory_space<vmem>> -> memref<1x256x64xf32, #tpu.memory_space<vmem>>
      %dma_wait3A_467 = tpu.memref_squeeze %dma_wait3A_466 : memref<1x256x64xf32, #tpu.memory_space<vmem>> -> memref<256x64xf32, #tpu.memory_space<vmem>>
      %dma_wait3A_468 = arith.constant 0 : i32
      %dma_wait3A_469 = arith.constant 0 : i32
      %dma_wait3A_470 = tpu.memref_slice %arg2[%dma_wait3A_468, %dma_wait3A_469] : memref<100001x64xf32, #tpu.memory_space<hbm>> -> memref<256x64xf32, #tpu.memory_space<hbm>>
      %dma_wait3A_471 = tpu.memref_slice %arg7[%dma_wait3A_463] : memref<4x!tpu.dma_semaphore, #tpu.memory_space<semaphore_mem>> -> memref<1x!tpu.dma_semaphore, #tpu.memory_space<semaphore_mem>>
      %dma_wait3A_472 = tpu.memref_squeeze %dma_wait3A_471 : memref<1x!tpu.dma_semaphore, #tpu.memory_space<semaphore_mem>> -> memref<!tpu.dma_semaphore, #tpu.memory_space<semaphore_mem>>
      %dma_wait3A_473 = arith.constant 0 : i32
      %dma_wait3A_474 = arith.constant 0 : i32
      %dma_wait3A_475 = tpu.memref_slice %arg6[%dma_wait3A_462, %dma_wait3A_473, %dma_wait3A_474] : memref<4x256x64xf32, #tpu.memory_space<vmem>> -> memref<1x256x64xf32, #tpu.memory_space<vmem>>
      %dma_wait3A_476 = tpu.memref_squeeze %dma_wait3A_475 : memref<1x256x64xf32, #tpu.memory_space<vmem>> -> memref<256x64xf32, #tpu.memory_space<vmem>>
      %dma_wait3A_477 = arith.constant 0 : i32
      %dma_wait3A_478 = arith.constant 0 : i32
      %dma_wait3A_479 = tpu.memref_slice %arg2[%dma_wait3A_477, %dma_wait3A_478] : memref<100001x64xf32, #tpu.memory_space<hbm>> -> memref<256x64xf32, #tpu.memory_space<hbm>>
      tpu.wait_dma2 semaphore(%dma_wait3A_472 : memref<!tpu.dma_semaphore, #tpu.memory_space<semaphore_mem>>) src(%dma_wait3A_479 : memref<256x64xf32, #tpu.memory_space<hbm>>) dst(%dma_wait3A_476 : memref<256x64xf32, #tpu.memory_space<vmem>>)
      %jit3A_480 = arith.constant 2 : i32
      %div3A_481 = arith.divsi %add3A_461, %jit3A_480 : i32
      %sign3A_482 = arith.constant 0 : i32
      %sign3A_483 = arith.cmpi sgt, %add3A_461, %sign3A_482 : i32
      %sign3A_484 = arith.extui %sign3A_483 : i1 to i32
      %sign3A_485 = arith.constant 0 : i32
      %sign3A_486 = arith.cmpi slt, %add3A_461, %sign3A_485 : i32
      %sign3A_487 = arith.extui %sign3A_486 : i1 to i32
      %sign3A_488 = arith.subi %sign3A_484, %sign3A_487 : i32
      %sign3A_489 = arith.constant 0 : i32
      %sign3A_490 = arith.cmpi sgt, %jit3A_480, %sign3A_489 : i32
      %sign3A_491 = arith.extui %sign3A_490 : i1 to i32
      %sign3A_492 = arith.constant 0 : i32
      %sign3A_493 = arith.cmpi slt, %jit3A_480, %sign3A_492 : i32
      %sign3A_494 = arith.extui %sign3A_493 : i1 to i32
      %sign3A_495 = arith.subi %sign3A_491, %sign3A_494 : i32
      %ne3A_496 = arith.cmpi ne, %sign3A_488, %sign3A_495 : i32
      %rem3A_497 = arith.remsi %add3A_461, %jit3A_480 : i32
      %ne3A_498 = arith.constant 0 : i32
      %ne3A_499 = arith.cmpi ne, %rem3A_497, %ne3A_498 : i32
      %and3A_500 = arith.andi %ne3A_496, %ne3A_499 : i1
      %sub3A_501 = arith.constant 1 : i32
      %sub3A_502 = arith.subi %div3A_481, %sub3A_501 : i32
      %select_n3A_503 = arith.select %and3A_500, %sub3A_502, %div3A_481 : i32
      %jit3A_504 = arith.constant 2 : i32
      %eq3A_505 = arith.constant 0 : i32
      %eq3A_506 = arith.cmpi eq, %jit3A_504, %eq3A_505 : i32
      %jit3A_507 = arith.constant 1 : i32
      %select_n3A_508 = arith.select %eq3A_506, %jit3A_507, %jit3A_504 : i32
      %rem3A_509 = arith.remsi %add3A_461, %select_n3A_508 : i32
      %ne3A_510 = arith.constant 0 : i32
      %ne3A_511 = arith.cmpi ne, %rem3A_509, %ne3A_510 : i32
      %lt3A_512 = arith.constant 0 : i32
      %lt3A_513 = arith.cmpi slt, %rem3A_509, %lt3A_512 : i32
      %lt3A_514 = arith.constant 0 : i32
      %lt3A_515 = arith.cmpi slt, %select_n3A_508, %lt3A_514 : i32
      %ne3A_516 = arith.xori %lt3A_513, %lt3A_515 : i1
      %and3A_517 = arith.andi %ne3A_516, %ne3A_511 : i1
      %add3A_518 = arith.addi %rem3A_509, %select_n3A_508 : i32
      %select_n3A_519 = arith.select %and3A_517, %add3A_518, %rem3A_509 : i32
      %mul3A_520 = arith.constant 256 : i32
      %mul3A_521 = arith.muli %select_n3A_519, %mul3A_520 : i32
      %add3A_522 = arith.addi %mul3A_2, %mul3A_521 : i32
      %dma_start3A_523 = arith.constant 1 : i32
      %dma_start3A_524 = arith.constant 1 : i32
      %dma_start3A_525 = arith.constant 0 : i32
      %dma_start3A_526 = arith.constant 0 : i32
      %dma_start3A_527 = tpu.memref_slice %arg6[%dma_start3A_523, %dma_start3A_525, %dma_start3A_526] : memref<4x256x64xf32, #tpu.memory_space<vmem>> -> memref<1x256x64xf32, #tpu.memory_space<vmem>>
      %dma_start3A_528 = tpu.memref_squeeze %dma_start3A_527 : memref<1x256x64xf32, #tpu.memory_space<vmem>> -> memref<256x64xf32, #tpu.memory_space<vmem>>
      %dma_start3A_529 = arith.constant 0 : i32
      %dma_start3A_530 = tpu.memref_slice %arg4[%select_n3A_503, %add3A_522, %dma_start3A_529] : memref<50x16384x64xf32, #tpu.memory_space<hbm>> -> memref<1x256x64xf32, #tpu.memory_space<hbm>>
      %dma_start3A_531 = tpu.memref_squeeze %dma_start3A_530 : memref<1x256x64xf32, #tpu.memory_space<hbm>> -> memref<256x64xf32, #tpu.memory_space<hbm>>
      %dma_start3A_532 = tpu.memref_slice %arg8[%dma_start3A_524] : memref<4x!tpu.dma_semaphore, #tpu.memory_space<semaphore_mem>> -> memref<1x!tpu.dma_semaphore, #tpu.memory_space<semaphore_mem>>
      %dma_start3A_533 = tpu.memref_squeeze %dma_start3A_532 : memref<1x!tpu.dma_semaphore, #tpu.memory_space<semaphore_mem>> -> memref<!tpu.dma_semaphore, #tpu.memory_space<semaphore_mem>>
      %dma_start3A_534 = arith.constant 0 : i32
      %dma_start3A_535 = tpu.memref_slice %arg4[%select_n3A_503, %add3A_522, %dma_start3A_534] : memref<50x16384x64xf32, #tpu.memory_space<hbm>> -> memref<1x256x64xf32, #tpu.memory_space<hbm>>
      %dma_start3A_536 = tpu.memref_squeeze %dma_start3A_535 : memref<1x256x64xf32, #tpu.memory_space<hbm>> -> memref<256x64xf32, #tpu.memory_space<hbm>>
      %dma_start3A_537 = arith.constant 0 : i32
      %dma_start3A_538 = arith.constant 0 : i32
      %dma_start3A_539 = tpu.memref_slice %arg6[%dma_start3A_523, %dma_start3A_537, %dma_start3A_538] : memref<4x256x64xf32, #tpu.memory_space<vmem>> -> memref<1x256x64xf32, #tpu.memory_space<vmem>>
      %dma_start3A_540 = tpu.memref_squeeze %dma_start3A_539 : memref<1x256x64xf32, #tpu.memory_space<vmem>> -> memref<256x64xf32, #tpu.memory_space<vmem>>
      tpu.enqueue_dma source(%dma_start3A_540 : memref<256x64xf32, #tpu.memory_space<vmem>>) target(%dma_start3A_536 : memref<256x64xf32, #tpu.memory_space<hbm>>) target_semaphore(%dma_start3A_533 : memref<!tpu.dma_semaphore, #tpu.memory_space<semaphore_mem>>)
      %dma_wait3A_541 = arith.constant 1 : i32
      %dma_wait3A_542 = arith.constant 0 : i32
      %dma_wait3A_543 = arith.constant 1 : i32
      %dma_wait3A_544 = arith.constant 0 : i32
      %dma_wait3A_545 = arith.constant 0 : i32
      %dma_wait3A_546 = tpu.memref_slice %arg6[%dma_wait3A_541, %dma_wait3A_544, %dma_wait3A_545] : memref<4x256x64xf32, #tpu.memory_space<vmem>> -> memref<1x256x64xf32, #tpu.memory_space<vmem>>
      %dma_wait3A_547 = tpu.memref_squeeze %dma_wait3A_546 : memref<1x256x64xf32, #tpu.memory_space<vmem>> -> memref<256x64xf32, #tpu.memory_space<vmem>>
      %dma_wait3A_548 = arith.constant 0 : i32
      %dma_wait3A_549 = arith.constant 0 : i32
      %dma_wait3A_550 = tpu.memref_slice %arg4[%dma_wait3A_542, %dma_wait3A_548, %dma_wait3A_549] : memref<50x16384x64xf32, #tpu.memory_space<hbm>> -> memref<1x256x64xf32, #tpu.memory_space<hbm>>
      %dma_wait3A_551 = tpu.memref_squeeze %dma_wait3A_550 : memref<1x256x64xf32, #tpu.memory_space<hbm>> -> memref<256x64xf32, #tpu.memory_space<hbm>>
      %dma_wait3A_552 = tpu.memref_slice %arg8[%dma_wait3A_543] : memref<4x!tpu.dma_semaphore, #tpu.memory_space<semaphore_mem>> -> memref<1x!tpu.dma_semaphore, #tpu.memory_space<semaphore_mem>>
      %dma_wait3A_553 = tpu.memref_squeeze %dma_wait3A_552 : memref<1x!tpu.dma_semaphore, #tpu.memory_space<semaphore_mem>> -> memref<!tpu.dma_semaphore, #tpu.memory_space<semaphore_mem>>
      %dma_wait3A_554 = arith.constant 0 : i32
      %dma_wait3A_555 = arith.constant 0 : i32
      %dma_wait3A_556 = tpu.memref_slice %arg4[%dma_wait3A_542, %dma_wait3A_554, %dma_wait3A_555] : memref<50x16384x64xf32, #tpu.memory_space<hbm>> -> memref<1x256x64xf32, #tpu.memory_space<hbm>>
      %dma_wait3A_557 = tpu.memref_squeeze %dma_wait3A_556 : memref<1x256x64xf32, #tpu.memory_space<hbm>> -> memref<256x64xf32, #tpu.memory_space<hbm>>
      %dma_wait3A_558 = arith.constant 0 : i32
      %dma_wait3A_559 = arith.constant 0 : i32
      %dma_wait3A_560 = tpu.memref_slice %arg6[%dma_wait3A_541, %dma_wait3A_558, %dma_wait3A_559] : memref<4x256x64xf32, #tpu.memory_space<vmem>> -> memref<1x256x64xf32, #tpu.memory_space<vmem>>
      %dma_wait3A_561 = tpu.memref_squeeze %dma_wait3A_560 : memref<1x256x64xf32, #tpu.memory_space<vmem>> -> memref<256x64xf32, #tpu.memory_space<vmem>>
      tpu.wait_dma2 semaphore(%dma_wait3A_553 : memref<!tpu.dma_semaphore, #tpu.memory_space<semaphore_mem>>) src(%dma_wait3A_561 : memref<256x64xf32, #tpu.memory_space<vmem>>) dst(%dma_wait3A_557 : memref<256x64xf32, #tpu.memory_space<hbm>>)
      %add3A_562 = arith.constant 4 : i32
      %add3A_563 = arith.addi %add3A_461, %add3A_562 : i32
      %jit3A_564 = arith.constant 2 : i32
      %div3A_565 = arith.divsi %add3A_563, %jit3A_564 : i32
      %sign3A_566 = arith.constant 0 : i32
      %sign3A_567 = arith.cmpi sgt, %add3A_563, %sign3A_566 : i32
      %sign3A_568 = arith.extui %sign3A_567 : i1 to i32
      %sign3A_569 = arith.constant 0 : i32
      %sign3A_570 = arith.cmpi slt, %add3A_563, %sign3A_569 : i32
      %sign3A_571 = arith.extui %sign3A_570 : i1 to i32
      %sign3A_572 = arith.subi %sign3A_568, %sign3A_571 : i32
      %sign3A_573 = arith.constant 0 : i32
      %sign3A_574 = arith.cmpi sgt, %jit3A_564, %sign3A_573 : i32
      %sign3A_575 = arith.extui %sign3A_574 : i1 to i32
      %sign3A_576 = arith.constant 0 : i32
      %sign3A_577 = arith.cmpi slt, %jit3A_564, %sign3A_576 : i32
      %sign3A_578 = arith.extui %sign3A_577 : i1 to i32
      %sign3A_579 = arith.subi %sign3A_575, %sign3A_578 : i32
      %ne3A_580 = arith.cmpi ne, %sign3A_572, %sign3A_579 : i32
      %rem3A_581 = arith.remsi %add3A_563, %jit3A_564 : i32
      %ne3A_582 = arith.constant 0 : i32
      %ne3A_583 = arith.cmpi ne, %rem3A_581, %ne3A_582 : i32
      %and3A_584 = arith.andi %ne3A_580, %ne3A_583 : i1
      %sub3A_585 = arith.constant 1 : i32
      %sub3A_586 = arith.subi %div3A_565, %sub3A_585 : i32
      %select_n3A_587 = arith.select %and3A_584, %sub3A_586, %div3A_565 : i32
      %jit3A_588 = arith.constant 2 : i32
      %eq3A_589 = arith.constant 0 : i32
      %eq3A_590 = arith.cmpi eq, %jit3A_588, %eq3A_589 : i32
      %jit3A_591 = arith.constant 1 : i32
      %select_n3A_592 = arith.select %eq3A_590, %jit3A_591, %jit3A_588 : i32
      %rem3A_593 = arith.remsi %add3A_563, %select_n3A_592 : i32
      %ne3A_594 = arith.constant 0 : i32
      %ne3A_595 = arith.cmpi ne, %rem3A_593, %ne3A_594 : i32
      %lt3A_596 = arith.constant 0 : i32
      %lt3A_597 = arith.cmpi slt, %rem3A_593, %lt3A_596 : i32
      %lt3A_598 = arith.constant 0 : i32
      %lt3A_599 = arith.cmpi slt, %select_n3A_592, %lt3A_598 : i32
      %ne3A_600 = arith.xori %lt3A_597, %lt3A_599 : i1
      %and3A_601 = arith.andi %ne3A_600, %ne3A_595 : i1
      %add3A_602 = arith.addi %rem3A_593, %select_n3A_592 : i32
      %select_n3A_603 = arith.select %and3A_601, %add3A_602, %rem3A_593 : i32
      %mul3A_604 = arith.constant 256 : i32
      %mul3A_605 = arith.muli %select_n3A_603, %mul3A_604 : i32
      %dma_start3A_606 = arith.constant 1 : i32
      %dma_start3A_607 = arith.constant 1 : i32
      %dma_start3A_608 = arith.constant 0 : i32
      %dma_start3A_609 = arith.constant 0 : i32
      %dma_start3A_610 = tpu.memref_slice %arg6[%dma_start3A_606, %dma_start3A_608, %dma_start3A_609] : memref<4x256x64xf32, #tpu.memory_space<vmem>> -> memref<1x256x64xf32, #tpu.memory_space<vmem>>
      %dma_start3A_611 = tpu.memref_squeeze %dma_start3A_610 : memref<1x256x64xf32, #tpu.memory_space<vmem>> -> memref<256x64xf32, #tpu.memory_space<vmem>>
      %dma_start3A_612 = tpu.memref_slice %arg5[%select_n3A_587, %mul3A_605] : memref<50x512xi32, #tpu.memory_space<vmem>> -> memref<1x256xi32, #tpu.memory_space<vmem>>
      %dma_start3A_613 = tpu.memref_squeeze %dma_start3A_612 : memref<1x256xi32, #tpu.memory_space<vmem>> -> memref<256xi32, #tpu.memory_space<vmem>>
      %dma_start3A_614 = arith.constant 0 : i32
      %dma_start3A_615 = arith.constant 0 : i32
      %dma_start3A_616 = tpu.memref_slice %arg2[%dma_start3A_614, %dma_start3A_615] : memref<100001x64xf32, #tpu.memory_space<hbm>> -> memref<100001x64xf32, #tpu.memory_space<hbm>>
      %dma_start3A_617 = tpu.memref_slice %arg7[%dma_start3A_607] : memref<4x!tpu.dma_semaphore, #tpu.memory_space<semaphore_mem>> -> memref<1x!tpu.dma_semaphore, #tpu.memory_space<semaphore_mem>>
      %dma_start3A_618 = tpu.memref_squeeze %dma_start3A_617 : memref<1x!tpu.dma_semaphore, #tpu.memory_space<semaphore_mem>> -> memref<!tpu.dma_semaphore, #tpu.memory_space<semaphore_mem>>
      tpu.enqueue_indirect_dma source(%dma_start3A_616 : memref<100001x64xf32, #tpu.memory_space<hbm>>) target(%dma_start3A_611 : memref<256x64xf32, #tpu.memory_space<vmem>>) offsets(%dma_start3A_613 : memref<256xi32, #tpu.memory_space<vmem>>) semaphore(%dma_start3A_618 : memref<!tpu.dma_semaphore, #tpu.memory_space<semaphore_mem>>)
      %mul3A_619 = arith.constant 4 : i32
      %mul3A_620 = arith.muli %scan3A_306, %mul3A_619 : i32
      %add3A_621 = arith.constant 2 : i32
      %add3A_622 = arith.addi %mul3A_620, %add3A_621 : i32
      %dma_wait3A_623 = arith.constant 2 : i32
      %dma_wait3A_624 = arith.constant 2 : i32
      %dma_wait3A_625 = arith.constant 0 : i32
      %dma_wait3A_626 = arith.constant 0 : i32
      %dma_wait3A_627 = tpu.memref_slice %arg6[%dma_wait3A_623, %dma_wait3A_625, %dma_wait3A_626] : memref<4x256x64xf32, #tpu.memory_space<vmem>> -> memref<1x256x64xf32, #tpu.memory_space<vmem>>
      %dma_wait3A_628 = tpu.memref_squeeze %dma_wait3A_627 : memref<1x256x64xf32, #tpu.memory_space<vmem>> -> memref<256x64xf32, #tpu.memory_space<vmem>>
      %dma_wait3A_629 = arith.constant 0 : i32
      %dma_wait3A_630 = arith.constant 0 : i32
      %dma_wait3A_631 = tpu.memref_slice %arg2[%dma_wait3A_629, %dma_wait3A_630] : memref<100001x64xf32, #tpu.memory_space<hbm>> -> memref<256x64xf32, #tpu.memory_space<hbm>>
      %dma_wait3A_632 = tpu.memref_slice %arg7[%dma_wait3A_624] : memref<4x!tpu.dma_semaphore, #tpu.memory_space<semaphore_mem>> -> memref<1x!tpu.dma_semaphore, #tpu.memory_space<semaphore_mem>>
      %dma_wait3A_633 = tpu.memref_squeeze %dma_wait3A_632 : memref<1x!tpu.dma_semaphore, #tpu.memory_space<semaphore_mem>> -> memref<!tpu.dma_semaphore, #tpu.memory_space<semaphore_mem>>
      %dma_wait3A_634 = arith.constant 0 : i32
      %dma_wait3A_635 = arith.constant 0 : i32
      %dma_wait3A_636 = tpu.memref_slice %arg6[%dma_wait3A_623, %dma_wait3A_634, %dma_wait3A_635] : memref<4x256x64xf32, #tpu.memory_space<vmem>> -> memref<1x256x64xf32, #tpu.memory_space<vmem>>
      %dma_wait3A_637 = tpu.memref_squeeze %dma_wait3A_636 : memref<1x256x64xf32, #tpu.memory_space<vmem>> -> memref<256x64xf32, #tpu.memory_space<vmem>>
      %dma_wait3A_638 = arith.constant 0 : i32
      %dma_wait3A_639 = arith.constant 0 : i32
      %dma_wait3A_640 = tpu.memref_slice %arg2[%dma_wait3A_638, %dma_wait3A_639] : memref<100001x64xf32, #tpu.memory_space<hbm>> -> memref<256x64xf32, #tpu.memory_space<hbm>>
      tpu.wait_dma2 semaphore(%dma_wait3A_633 : memref<!tpu.dma_semaphore, #tpu.memory_space<semaphore_mem>>) src(%dma_wait3A_640 : memref<256x64xf32, #tpu.memory_space<hbm>>) dst(%dma_wait3A_637 : memref<256x64xf32, #tpu.memory_space<vmem>>)
      %jit3A_641 = arith.constant 2 : i32
      %div3A_642 = arith.divsi %add3A_622, %jit3A_641 : i32
      %sign3A_643 = arith.constant 0 : i32
      %sign3A_644 = arith.cmpi sgt, %add3A_622, %sign3A_643 : i32
      %sign3A_645 = arith.extui %sign3A_644 : i1 to i32
      %sign3A_646 = arith.constant 0 : i32
      %sign3A_647 = arith.cmpi slt, %add3A_622, %sign3A_646 : i32
      %sign3A_648 = arith.extui %sign3A_647 : i1 to i32
      %sign3A_649 = arith.subi %sign3A_645, %sign3A_648 : i32
      %sign3A_650 = arith.constant 0 : i32
      %sign3A_651 = arith.cmpi sgt, %jit3A_641, %sign3A_650 : i32
      %sign3A_652 = arith.extui %sign3A_651 : i1 to i32
      %sign3A_653 = arith.constant 0 : i32
      %sign3A_654 = arith.cmpi slt, %jit3A_641, %sign3A_653 : i32
      %sign3A_655 = arith.extui %sign3A_654 : i1 to i32
      %sign3A_656 = arith.subi %sign3A_652, %sign3A_655 : i32
      %ne3A_657 = arith.cmpi ne, %sign3A_649, %sign3A_656 : i32
      %rem3A_658 = arith.remsi %add3A_622, %jit3A_641 : i32
      %ne3A_659 = arith.constant 0 : i32
      %ne3A_660 = arith.cmpi ne, %rem3A_658, %ne3A_659 : i32
      %and3A_661 = arith.andi %ne3A_657, %ne3A_660 : i1
      %sub3A_662 = arith.constant 1 : i32
      %sub3A_663 = arith.subi %div3A_642, %sub3A_662 : i32
      %select_n3A_664 = arith.select %and3A_661, %sub3A_663, %div3A_642 : i32
      %jit3A_665 = arith.constant 2 : i32
      %eq3A_666 = arith.constant 0 : i32
      %eq3A_667 = arith.cmpi eq, %jit3A_665, %eq3A_666 : i32
      %jit3A_668 = arith.constant 1 : i32
      %select_n3A_669 = arith.select %eq3A_667, %jit3A_668, %jit3A_665 : i32
      %rem3A_670 = arith.remsi %add3A_622, %select_n3A_669 : i32
      %ne3A_671 = arith.constant 0 : i32
      %ne3A_672 = arith.cmpi ne, %rem3A_670, %ne3A_671 : i32
      %lt3A_673 = arith.constant 0 : i32
      %lt3A_674 = arith.cmpi slt, %rem3A_670, %lt3A_673 : i32
      %lt3A_675 = arith.constant 0 : i32
      %lt3A_676 = arith.cmpi slt, %select_n3A_669, %lt3A_675 : i32
      %ne3A_677 = arith.xori %lt3A_674, %lt3A_676 : i1
      %and3A_678 = arith.andi %ne3A_677, %ne3A_672 : i1
      %add3A_679 = arith.addi %rem3A_670, %select_n3A_669 : i32
      %select_n3A_680 = arith.select %and3A_678, %add3A_679, %rem3A_670 : i32
      %mul3A_681 = arith.constant 256 : i32
      %mul3A_682 = arith.muli %select_n3A_680, %mul3A_681 : i32
      %add3A_683 = arith.addi %mul3A_2, %mul3A_682 : i32
      %dma_start3A_684 = arith.constant 2 : i32
      %dma_start3A_685 = arith.constant 2 : i32
      %dma_start3A_686 = arith.constant 0 : i32
      %dma_start3A_687 = arith.constant 0 : i32
      %dma_start3A_688 = tpu.memref_slice %arg6[%dma_start3A_684, %dma_start3A_686, %dma_start3A_687] : memref<4x256x64xf32, #tpu.memory_space<vmem>> -> memref<1x256x64xf32, #tpu.memory_space<vmem>>
      %dma_start3A_689 = tpu.memref_squeeze %dma_start3A_688 : memref<1x256x64xf32, #tpu.memory_space<vmem>> -> memref<256x64xf32, #tpu.memory_space<vmem>>
      %dma_start3A_690 = arith.constant 0 : i32
      %dma_start3A_691 = tpu.memref_slice %arg4[%select_n3A_664, %add3A_683, %dma_start3A_690] : memref<50x16384x64xf32, #tpu.memory_space<hbm>> -> memref<1x256x64xf32, #tpu.memory_space<hbm>>
      %dma_start3A_692 = tpu.memref_squeeze %dma_start3A_691 : memref<1x256x64xf32, #tpu.memory_space<hbm>> -> memref<256x64xf32, #tpu.memory_space<hbm>>
      %dma_start3A_693 = tpu.memref_slice %arg8[%dma_start3A_685] : memref<4x!tpu.dma_semaphore, #tpu.memory_space<semaphore_mem>> -> memref<1x!tpu.dma_semaphore, #tpu.memory_space<semaphore_mem>>
      %dma_start3A_694 = tpu.memref_squeeze %dma_start3A_693 : memref<1x!tpu.dma_semaphore, #tpu.memory_space<semaphore_mem>> -> memref<!tpu.dma_semaphore, #tpu.memory_space<semaphore_mem>>
      %dma_start3A_695 = arith.constant 0 : i32
      %dma_start3A_696 = tpu.memref_slice %arg4[%select_n3A_664, %add3A_683, %dma_start3A_695] : memref<50x16384x64xf32, #tpu.memory_space<hbm>> -> memref<1x256x64xf32, #tpu.memory_space<hbm>>
      %dma_start3A_697 = tpu.memref_squeeze %dma_start3A_696 : memref<1x256x64xf32, #tpu.memory_space<hbm>> -> memref<256x64xf32, #tpu.memory_space<hbm>>
      %dma_start3A_698 = arith.constant 0 : i32
      %dma_start3A_699 = arith.constant 0 : i32
      %dma_start3A_700 = tpu.memref_slice %arg6[%dma_start3A_684, %dma_start3A_698, %dma_start3A_699] : memref<4x256x64xf32, #tpu.memory_space<vmem>> -> memref<1x256x64xf32, #tpu.memory_space<vmem>>
      %dma_start3A_701 = tpu.memref_squeeze %dma_start3A_700 : memref<1x256x64xf32, #tpu.memory_space<vmem>> -> memref<256x64xf32, #tpu.memory_space<vmem>>
      tpu.enqueue_dma source(%dma_start3A_701 : memref<256x64xf32, #tpu.memory_space<vmem>>) target(%dma_start3A_697 : memref<256x64xf32, #tpu.memory_space<hbm>>) target_semaphore(%dma_start3A_694 : memref<!tpu.dma_semaphore, #tpu.memory_space<semaphore_mem>>)
      %dma_wait3A_702 = arith.constant 2 : i32
      %dma_wait3A_703 = arith.constant 0 : i32
      %dma_wait3A_704 = arith.constant 2 : i32
      %dma_wait3A_705 = arith.constant 0 : i32
      %dma_wait3A_706 = arith.constant 0 : i32
      %dma_wait3A_707 = tpu.memref_slice %arg6[%dma_wait3A_702, %dma_wait3A_705, %dma_wait3A_706] : memref<4x256x64xf32, #tpu.memory_space<vmem>> -> memref<1x256x64xf32, #tpu.memory_space<vmem>>
      %dma_wait3A_708 = tpu.memref_squeeze %dma_wait3A_707 : memref<1x256x64xf32, #tpu.memory_space<vmem>> -> memref<256x64xf32, #tpu.memory_space<vmem>>
      %dma_wait3A_709 = arith.constant 0 : i32
      %dma_wait3A_710 = arith.constant 0 : i32
      %dma_wait3A_711 = tpu.memref_slice %arg4[%dma_wait3A_703, %dma_wait3A_709, %dma_wait3A_710] : memref<50x16384x64xf32, #tpu.memory_space<hbm>> -> memref<1x256x64xf32, #tpu.memory_space<hbm>>
      %dma_wait3A_712 = tpu.memref_squeeze %dma_wait3A_711 : memref<1x256x64xf32, #tpu.memory_space<hbm>> -> memref<256x64xf32, #tpu.memory_space<hbm>>
      %dma_wait3A_713 = tpu.memref_slice %arg8[%dma_wait3A_704] : memref<4x!tpu.dma_semaphore, #tpu.memory_space<semaphore_mem>> -> memref<1x!tpu.dma_semaphore, #tpu.memory_space<semaphore_mem>>
      %dma_wait3A_714 = tpu.memref_squeeze %dma_wait3A_713 : memref<1x!tpu.dma_semaphore, #tpu.memory_space<semaphore_mem>> -> memref<!tpu.dma_semaphore, #tpu.memory_space<semaphore_mem>>
      %dma_wait3A_715 = arith.constant 0 : i32
      %dma_wait3A_716 = arith.constant 0 : i32
      %dma_wait3A_717 = tpu.memref_slice %arg4[%dma_wait3A_703, %dma_wait3A_715, %dma_wait3A_716] : memref<50x16384x64xf32, #tpu.memory_space<hbm>> -> memref<1x256x64xf32, #tpu.memory_space<hbm>>
      %dma_wait3A_718 = tpu.memref_squeeze %dma_wait3A_717 : memref<1x256x64xf32, #tpu.memory_space<hbm>> -> memref<256x64xf32, #tpu.memory_space<hbm>>
      %dma_wait3A_719 = arith.constant 0 : i32
      %dma_wait3A_720 = arith.constant 0 : i32
      %dma_wait3A_721 = tpu.memref_slice %arg6[%dma_wait3A_702, %dma_wait3A_719, %dma_wait3A_720] : memref<4x256x64xf32, #tpu.memory_space<vmem>> -> memref<1x256x64xf32, #tpu.memory_space<vmem>>
      %dma_wait3A_722 = tpu.memref_squeeze %dma_wait3A_721 : memref<1x256x64xf32, #tpu.memory_space<vmem>> -> memref<256x64xf32, #tpu.memory_space<vmem>>
      tpu.wait_dma2 semaphore(%dma_wait3A_714 : memref<!tpu.dma_semaphore, #tpu.memory_space<semaphore_mem>>) src(%dma_wait3A_722 : memref<256x64xf32, #tpu.memory_space<vmem>>) dst(%dma_wait3A_718 : memref<256x64xf32, #tpu.memory_space<hbm>>)
      %add3A_723 = arith.constant 4 : i32
      %add3A_724 = arith.addi %add3A_622, %add3A_723 : i32
      %jit3A_725 = arith.constant 2 : i32
      %div3A_726 = arith.divsi %add3A_724, %jit3A_725 : i32
      %sign3A_727 = arith.constant 0 : i32
      %sign3A_728 = arith.cmpi sgt, %add3A_724, %sign3A_727 : i32
      %sign3A_729 = arith.extui %sign3A_728 : i1 to i32
      %sign3A_730 = arith.constant 0 : i32
      %sign3A_731 = arith.cmpi slt, %add3A_724, %sign3A_730 : i32
      %sign3A_732 = arith.extui %sign3A_731 : i1 to i32
      %sign3A_733 = arith.subi %sign3A_729, %sign3A_732 : i32
      %sign3A_734 = arith.constant 0 : i32
      %sign3A_735 = arith.cmpi sgt, %jit3A_725, %sign3A_734 : i32
      %sign3A_736 = arith.extui %sign3A_735 : i1 to i32
      %sign3A_737 = arith.constant 0 : i32
      %sign3A_738 = arith.cmpi slt, %jit3A_725, %sign3A_737 : i32
      %sign3A_739 = arith.extui %sign3A_738 : i1 to i32
      %sign3A_740 = arith.subi %sign3A_736, %sign3A_739 : i32
      %ne3A_741 = arith.cmpi ne, %sign3A_733, %sign3A_740 : i32
      %rem3A_742 = arith.remsi %add3A_724, %jit3A_725 : i32
      %ne3A_743 = arith.constant 0 : i32
      %ne3A_744 = arith.cmpi ne, %rem3A_742, %ne3A_743 : i32
      %and3A_745 = arith.andi %ne3A_741, %ne3A_744 : i1
      %sub3A_746 = arith.constant 1 : i32
      %sub3A_747 = arith.subi %div3A_726, %sub3A_746 : i32
      %select_n3A_748 = arith.select %and3A_745, %sub3A_747, %div3A_726 : i32
      %jit3A_749 = arith.constant 2 : i32
      %eq3A_750 = arith.constant 0 : i32
      %eq3A_751 = arith.cmpi eq, %jit3A_749, %eq3A_750 : i32
      %jit3A_752 = arith.constant 1 : i32
      %select_n3A_753 = arith.select %eq3A_751, %jit3A_752, %jit3A_749 : i32
      %rem3A_754 = arith.remsi %add3A_724, %select_n3A_753 : i32
      %ne3A_755 = arith.constant 0 : i32
      %ne3A_756 = arith.cmpi ne, %rem3A_754, %ne3A_755 : i32
      %lt3A_757 = arith.constant 0 : i32
      %lt3A_758 = arith.cmpi slt, %rem3A_754, %lt3A_757 : i32
      %lt3A_759 = arith.constant 0 : i32
      %lt3A_760 = arith.cmpi slt, %select_n3A_753, %lt3A_759 : i32
      %ne3A_761 = arith.xori %lt3A_758, %lt3A_760 : i1
      %and3A_762 = arith.andi %ne3A_761, %ne3A_756 : i1
      %add3A_763 = arith.addi %rem3A_754, %select_n3A_753 : i32
      %select_n3A_764 = arith.select %and3A_762, %add3A_763, %rem3A_754 : i32
      %mul3A_765 = arith.constant 256 : i32
      %mul3A_766 = arith.muli %select_n3A_764, %mul3A_765 : i32
      %dma_start3A_767 = arith.constant 2 : i32
      %dma_start3A_768 = arith.constant 2 : i32
      %dma_start3A_769 = arith.constant 0 : i32
      %dma_start3A_770 = arith.constant 0 : i32
      %dma_start3A_771 = tpu.memref_slice %arg6[%dma_start3A_767, %dma_start3A_769, %dma_start3A_770] : memref<4x256x64xf32, #tpu.memory_space<vmem>> -> memref<1x256x64xf32, #tpu.memory_space<vmem>>
      %dma_start3A_772 = tpu.memref_squeeze %dma_start3A_771 : memref<1x256x64xf32, #tpu.memory_space<vmem>> -> memref<256x64xf32, #tpu.memory_space<vmem>>
      %dma_start3A_773 = tpu.memref_slice %arg5[%select_n3A_748, %mul3A_766] : memref<50x512xi32, #tpu.memory_space<vmem>> -> memref<1x256xi32, #tpu.memory_space<vmem>>
      %dma_start3A_774 = tpu.memref_squeeze %dma_start3A_773 : memref<1x256xi32, #tpu.memory_space<vmem>> -> memref<256xi32, #tpu.memory_space<vmem>>
      %dma_start3A_775 = arith.constant 0 : i32
      %dma_start3A_776 = arith.constant 0 : i32
      %dma_start3A_777 = tpu.memref_slice %arg2[%dma_start3A_775, %dma_start3A_776] : memref<100001x64xf32, #tpu.memory_space<hbm>> -> memref<100001x64xf32, #tpu.memory_space<hbm>>
      %dma_start3A_778 = tpu.memref_slice %arg7[%dma_start3A_768] : memref<4x!tpu.dma_semaphore, #tpu.memory_space<semaphore_mem>> -> memref<1x!tpu.dma_semaphore, #tpu.memory_space<semaphore_mem>>
      %dma_start3A_779 = tpu.memref_squeeze %dma_start3A_778 : memref<1x!tpu.dma_semaphore, #tpu.memory_space<semaphore_mem>> -> memref<!tpu.dma_semaphore, #tpu.memory_space<semaphore_mem>>
      tpu.enqueue_indirect_dma source(%dma_start3A_777 : memref<100001x64xf32, #tpu.memory_space<hbm>>) target(%dma_start3A_772 : memref<256x64xf32, #tpu.memory_space<vmem>>) offsets(%dma_start3A_774 : memref<256xi32, #tpu.memory_space<vmem>>) semaphore(%dma_start3A_779 : memref<!tpu.dma_semaphore, #tpu.memory_space<semaphore_mem>>)
      %mul3A_780 = arith.constant 4 : i32
      %mul3A_781 = arith.muli %scan3A_306, %mul3A_780 : i32
      %add3A_782 = arith.constant 3 : i32
      %add3A_783 = arith.addi %mul3A_781, %add3A_782 : i32
      %dma_wait3A_784 = arith.constant 3 : i32
      %dma_wait3A_785 = arith.constant 3 : i32
      %dma_wait3A_786 = arith.constant 0 : i32
      %dma_wait3A_787 = arith.constant 0 : i32
      %dma_wait3A_788 = tpu.memref_slice %arg6[%dma_wait3A_784, %dma_wait3A_786, %dma_wait3A_787] : memref<4x256x64xf32, #tpu.memory_space<vmem>> -> memref<1x256x64xf32, #tpu.memory_space<vmem>>
      %dma_wait3A_789 = tpu.memref_squeeze %dma_wait3A_788 : memref<1x256x64xf32, #tpu.memory_space<vmem>> -> memref<256x64xf32, #tpu.memory_space<vmem>>
      %dma_wait3A_790 = arith.constant 0 : i32
      %dma_wait3A_791 = arith.constant 0 : i32
      %dma_wait3A_792 = tpu.memref_slice %arg2[%dma_wait3A_790, %dma_wait3A_791] : memref<100001x64xf32, #tpu.memory_space<hbm>> -> memref<256x64xf32, #tpu.memory_space<hbm>>
      %dma_wait3A_793 = tpu.memref_slice %arg7[%dma_wait3A_785] : memref<4x!tpu.dma_semaphore, #tpu.memory_space<semaphore_mem>> -> memref<1x!tpu.dma_semaphore, #tpu.memory_space<semaphore_mem>>
      %dma_wait3A_794 = tpu.memref_squeeze %dma_wait3A_793 : memref<1x!tpu.dma_semaphore, #tpu.memory_space<semaphore_mem>> -> memref<!tpu.dma_semaphore, #tpu.memory_space<semaphore_mem>>
      %dma_wait3A_795 = arith.constant 0 : i32
      %dma_wait3A_796 = arith.constant 0 : i32
      %dma_wait3A_797 = tpu.memref_slice %arg6[%dma_wait3A_784, %dma_wait3A_795, %dma_wait3A_796] : memref<4x256x64xf32, #tpu.memory_space<vmem>> -> memref<1x256x64xf32, #tpu.memory_space<vmem>>
      %dma_wait3A_798 = tpu.memref_squeeze %dma_wait3A_797 : memref<1x256x64xf32, #tpu.memory_space<vmem>> -> memref<256x64xf32, #tpu.memory_space<vmem>>
      %dma_wait3A_799 = arith.constant 0 : i32
      %dma_wait3A_800 = arith.constant 0 : i32
      %dma_wait3A_801 = tpu.memref_slice %arg2[%dma_wait3A_799, %dma_wait3A_800] : memref<100001x64xf32, #tpu.memory_space<hbm>> -> memref<256x64xf32, #tpu.memory_space<hbm>>
      tpu.wait_dma2 semaphore(%dma_wait3A_794 : memref<!tpu.dma_semaphore, #tpu.memory_space<semaphore_mem>>) src(%dma_wait3A_801 : memref<256x64xf32, #tpu.memory_space<hbm>>) dst(%dma_wait3A_798 : memref<256x64xf32, #tpu.memory_space<vmem>>)
      %jit3A_802 = arith.constant 2 : i32
      %div3A_803 = arith.divsi %add3A_783, %jit3A_802 : i32
      %sign3A_804 = arith.constant 0 : i32
      %sign3A_805 = arith.cmpi sgt, %add3A_783, %sign3A_804 : i32
      %sign3A_806 = arith.extui %sign3A_805 : i1 to i32
      %sign3A_807 = arith.constant 0 : i32
      %sign3A_808 = arith.cmpi slt, %add3A_783, %sign3A_807 : i32
      %sign3A_809 = arith.extui %sign3A_808 : i1 to i32
      %sign3A_810 = arith.subi %sign3A_806, %sign3A_809 : i32
      %sign3A_811 = arith.constant 0 : i32
      %sign3A_812 = arith.cmpi sgt, %jit3A_802, %sign3A_811 : i32
      %sign3A_813 = arith.extui %sign3A_812 : i1 to i32
      %sign3A_814 = arith.constant 0 : i32
      %sign3A_815 = arith.cmpi slt, %jit3A_802, %sign3A_814 : i32
      %sign3A_816 = arith.extui %sign3A_815 : i1 to i32
      %sign3A_817 = arith.subi %sign3A_813, %sign3A_816 : i32
      %ne3A_818 = arith.cmpi ne, %sign3A_810, %sign3A_817 : i32
      %rem3A_819 = arith.remsi %add3A_783, %jit3A_802 : i32
      %ne3A_820 = arith.constant 0 : i32
      %ne3A_821 = arith.cmpi ne, %rem3A_819, %ne3A_820 : i32
      %and3A_822 = arith.andi %ne3A_818, %ne3A_821 : i1
      %sub3A_823 = arith.constant 1 : i32
      %sub3A_824 = arith.subi %div3A_803, %sub3A_823 : i32
      %select_n3A_825 = arith.select %and3A_822, %sub3A_824, %div3A_803 : i32
      %jit3A_826 = arith.constant 2 : i32
      %eq3A_827 = arith.constant 0 : i32
      %eq3A_828 = arith.cmpi eq, %jit3A_826, %eq3A_827 : i32
      %jit3A_829 = arith.constant 1 : i32
      %select_n3A_830 = arith.select %eq3A_828, %jit3A_829, %jit3A_826 : i32
      %rem3A_831 = arith.remsi %add3A_783, %select_n3A_830 : i32
      %ne3A_832 = arith.constant 0 : i32
      %ne3A_833 = arith.cmpi ne, %rem3A_831, %ne3A_832 : i32
      %lt3A_834 = arith.constant 0 : i32
      %lt3A_835 = arith.cmpi slt, %rem3A_831, %lt3A_834 : i32
      %lt3A_836 = arith.constant 0 : i32
      %lt3A_837 = arith.cmpi slt, %select_n3A_830, %lt3A_836 : i32
      %ne3A_838 = arith.xori %lt3A_835, %lt3A_837 : i1
      %and3A_839 = arith.andi %ne3A_838, %ne3A_833 : i1
      %add3A_840 = arith.addi %rem3A_831, %select_n3A_830 : i32
      %select_n3A_841 = arith.select %and3A_839, %add3A_840, %rem3A_831 : i32
      %mul3A_842 = arith.constant 256 : i32
      %mul3A_843 = arith.muli %select_n3A_841, %mul3A_842 : i32
      %add3A_844 = arith.addi %mul3A_2, %mul3A_843 : i32
      %dma_start3A_845 = arith.constant 3 : i32
      %dma_start3A_846 = arith.constant 3 : i32
      %dma_start3A_847 = arith.constant 0 : i32
      %dma_start3A_848 = arith.constant 0 : i32
      %dma_start3A_849 = tpu.memref_slice %arg6[%dma_start3A_845, %dma_start3A_847, %dma_start3A_848] : memref<4x256x64xf32, #tpu.memory_space<vmem>> -> memref<1x256x64xf32, #tpu.memory_space<vmem>>
      %dma_start3A_850 = tpu.memref_squeeze %dma_start3A_849 : memref<1x256x64xf32, #tpu.memory_space<vmem>> -> memref<256x64xf32, #tpu.memory_space<vmem>>
      %dma_start3A_851 = arith.constant 0 : i32
      %dma_start3A_852 = tpu.memref_slice %arg4[%select_n3A_825, %add3A_844, %dma_start3A_851] : memref<50x16384x64xf32, #tpu.memory_space<hbm>> -> memref<1x256x64xf32, #tpu.memory_space<hbm>>
      %dma_start3A_853 = tpu.memref_squeeze %dma_start3A_852 : memref<1x256x64xf32, #tpu.memory_space<hbm>> -> memref<256x64xf32, #tpu.memory_space<hbm>>
      %dma_start3A_854 = tpu.memref_slice %arg8[%dma_start3A_846] : memref<4x!tpu.dma_semaphore, #tpu.memory_space<semaphore_mem>> -> memref<1x!tpu.dma_semaphore, #tpu.memory_space<semaphore_mem>>
      %dma_start3A_855 = tpu.memref_squeeze %dma_start3A_854 : memref<1x!tpu.dma_semaphore, #tpu.memory_space<semaphore_mem>> -> memref<!tpu.dma_semaphore, #tpu.memory_space<semaphore_mem>>
      %dma_start3A_856 = arith.constant 0 : i32
      %dma_start3A_857 = tpu.memref_slice %arg4[%select_n3A_825, %add3A_844, %dma_start3A_856] : memref<50x16384x64xf32, #tpu.memory_space<hbm>> -> memref<1x256x64xf32, #tpu.memory_space<hbm>>
      %dma_start3A_858 = tpu.memref_squeeze %dma_start3A_857 : memref<1x256x64xf32, #tpu.memory_space<hbm>> -> memref<256x64xf32, #tpu.memory_space<hbm>>
      %dma_start3A_859 = arith.constant 0 : i32
      %dma_start3A_860 = arith.constant 0 : i32
      %dma_start3A_861 = tpu.memref_slice %arg6[%dma_start3A_845, %dma_start3A_859, %dma_start3A_860] : memref<4x256x64xf32, #tpu.memory_space<vmem>> -> memref<1x256x64xf32, #tpu.memory_space<vmem>>
      %dma_start3A_862 = tpu.memref_squeeze %dma_start3A_861 : memref<1x256x64xf32, #tpu.memory_space<vmem>> -> memref<256x64xf32, #tpu.memory_space<vmem>>
      tpu.enqueue_dma source(%dma_start3A_862 : memref<256x64xf32, #tpu.memory_space<vmem>>) target(%dma_start3A_858 : memref<256x64xf32, #tpu.memory_space<hbm>>) target_semaphore(%dma_start3A_855 : memref<!tpu.dma_semaphore, #tpu.memory_space<semaphore_mem>>)
      %dma_wait3A_863 = arith.constant 3 : i32
      %dma_wait3A_864 = arith.constant 0 : i32
      %dma_wait3A_865 = arith.constant 3 : i32
      %dma_wait3A_866 = arith.constant 0 : i32
      %dma_wait3A_867 = arith.constant 0 : i32
      %dma_wait3A_868 = tpu.memref_slice %arg6[%dma_wait3A_863, %dma_wait3A_866, %dma_wait3A_867] : memref<4x256x64xf32, #tpu.memory_space<vmem>> -> memref<1x256x64xf32, #tpu.memory_space<vmem>>
      %dma_wait3A_869 = tpu.memref_squeeze %dma_wait3A_868 : memref<1x256x64xf32, #tpu.memory_space<vmem>> -> memref<256x64xf32, #tpu.memory_space<vmem>>
      %dma_wait3A_870 = arith.constant 0 : i32
      %dma_wait3A_871 = arith.constant 0 : i32
      %dma_wait3A_872 = tpu.memref_slice %arg4[%dma_wait3A_864, %dma_wait3A_870, %dma_wait3A_871] : memref<50x16384x64xf32, #tpu.memory_space<hbm>> -> memref<1x256x64xf32, #tpu.memory_space<hbm>>
      %dma_wait3A_873 = tpu.memref_squeeze %dma_wait3A_872 : memref<1x256x64xf32, #tpu.memory_space<hbm>> -> memref<256x64xf32, #tpu.memory_space<hbm>>
      %dma_wait3A_874 = tpu.memref_slice %arg8[%dma_wait3A_865] : memref<4x!tpu.dma_semaphore, #tpu.memory_space<semaphore_mem>> -> memref<1x!tpu.dma_semaphore, #tpu.memory_space<semaphore_mem>>
      %dma_wait3A_875 = tpu.memref_squeeze %dma_wait3A_874 : memref<1x!tpu.dma_semaphore, #tpu.memory_space<semaphore_mem>> -> memref<!tpu.dma_semaphore, #tpu.memory_space<semaphore_mem>>
      %dma_wait3A_876 = arith.constant 0 : i32
      %dma_wait3A_877 = arith.constant 0 : i32
      %dma_wait3A_878 = tpu.memref_slice %arg4[%dma_wait3A_864, %dma_wait3A_876, %dma_wait3A_877] : memref<50x16384x64xf32, #tpu.memory_space<hbm>> -> memref<1x256x64xf32, #tpu.memory_space<hbm>>
      %dma_wait3A_879 = tpu.memref_squeeze %dma_wait3A_878 : memref<1x256x64xf32, #tpu.memory_space<hbm>> -> memref<256x64xf32, #tpu.memory_space<hbm>>
      %dma_wait3A_880 = arith.constant 0 : i32
      %dma_wait3A_881 = arith.constant 0 : i32
      %dma_wait3A_882 = tpu.memref_slice %arg6[%dma_wait3A_863, %dma_wait3A_880, %dma_wait3A_881] : memref<4x256x64xf32, #tpu.memory_space<vmem>> -> memref<1x256x64xf32, #tpu.memory_space<vmem>>
      %dma_wait3A_883 = tpu.memref_squeeze %dma_wait3A_882 : memref<1x256x64xf32, #tpu.memory_space<vmem>> -> memref<256x64xf32, #tpu.memory_space<vmem>>
      tpu.wait_dma2 semaphore(%dma_wait3A_875 : memref<!tpu.dma_semaphore, #tpu.memory_space<semaphore_mem>>) src(%dma_wait3A_883 : memref<256x64xf32, #tpu.memory_space<vmem>>) dst(%dma_wait3A_879 : memref<256x64xf32, #tpu.memory_space<hbm>>)
      %add3A_884 = arith.constant 4 : i32
      %add3A_885 = arith.addi %add3A_783, %add3A_884 : i32
      %jit3A_886 = arith.constant 2 : i32
      %div3A_887 = arith.divsi %add3A_885, %jit3A_886 : i32
      %sign3A_888 = arith.constant 0 : i32
      %sign3A_889 = arith.cmpi sgt, %add3A_885, %sign3A_888 : i32
      %sign3A_890 = arith.extui %sign3A_889 : i1 to i32
      %sign3A_891 = arith.constant 0 : i32
      %sign3A_892 = arith.cmpi slt, %add3A_885, %sign3A_891 : i32
      %sign3A_893 = arith.extui %sign3A_892 : i1 to i32
      %sign3A_894 = arith.subi %sign3A_890, %sign3A_893 : i32
      %sign3A_895 = arith.constant 0 : i32
      %sign3A_896 = arith.cmpi sgt, %jit3A_886, %sign3A_895 : i32
      %sign3A_897 = arith.extui %sign3A_896 : i1 to i32
      %sign3A_898 = arith.constant 0 : i32
      %sign3A_899 = arith.cmpi slt, %jit3A_886, %sign3A_898 : i32
      %sign3A_900 = arith.extui %sign3A_899 : i1 to i32
      %sign3A_901 = arith.subi %sign3A_897, %sign3A_900 : i32
      %ne3A_902 = arith.cmpi ne, %sign3A_894, %sign3A_901 : i32
      %rem3A_903 = arith.remsi %add3A_885, %jit3A_886 : i32
      %ne3A_904 = arith.constant 0 : i32
      %ne3A_905 = arith.cmpi ne, %rem3A_903, %ne3A_904 : i32
      %and3A_906 = arith.andi %ne3A_902, %ne3A_905 : i1
      %sub3A_907 = arith.constant 1 : i32
      %sub3A_908 = arith.subi %div3A_887, %sub3A_907 : i32
      %select_n3A_909 = arith.select %and3A_906, %sub3A_908, %div3A_887 : i32
      %jit3A_910 = arith.constant 2 : i32
      %eq3A_911 = arith.constant 0 : i32
      %eq3A_912 = arith.cmpi eq, %jit3A_910, %eq3A_911 : i32
      %jit3A_913 = arith.constant 1 : i32
      %select_n3A_914 = arith.select %eq3A_912, %jit3A_913, %jit3A_910 : i32
      %rem3A_915 = arith.remsi %add3A_885, %select_n3A_914 : i32
      %ne3A_916 = arith.constant 0 : i32
      %ne3A_917 = arith.cmpi ne, %rem3A_915, %ne3A_916 : i32
      %lt3A_918 = arith.constant 0 : i32
      %lt3A_919 = arith.cmpi slt, %rem3A_915, %lt3A_918 : i32
      %lt3A_920 = arith.constant 0 : i32
      %lt3A_921 = arith.cmpi slt, %select_n3A_914, %lt3A_920 : i32
      %ne3A_922 = arith.xori %lt3A_919, %lt3A_921 : i1
      %and3A_923 = arith.andi %ne3A_922, %ne3A_917 : i1
      %add3A_924 = arith.addi %rem3A_915, %select_n3A_914 : i32
      %select_n3A_925 = arith.select %and3A_923, %add3A_924, %rem3A_915 : i32
      %mul3A_926 = arith.constant 256 : i32
      %mul3A_927 = arith.muli %select_n3A_925, %mul3A_926 : i32
      %dma_start3A_928 = arith.constant 3 : i32
      %dma_start3A_929 = arith.constant 3 : i32
      %dma_start3A_930 = arith.constant 0 : i32
      %dma_start3A_931 = arith.constant 0 : i32
      %dma_start3A_932 = tpu.memref_slice %arg6[%dma_start3A_928, %dma_start3A_930, %dma_start3A_931] : memref<4x256x64xf32, #tpu.memory_space<vmem>> -> memref<1x256x64xf32, #tpu.memory_space<vmem>>
      %dma_start3A_933 = tpu.memref_squeeze %dma_start3A_932 : memref<1x256x64xf32, #tpu.memory_space<vmem>> -> memref<256x64xf32, #tpu.memory_space<vmem>>
      %dma_start3A_934 = tpu.memref_slice %arg5[%select_n3A_909, %mul3A_927] : memref<50x512xi32, #tpu.memory_space<vmem>> -> memref<1x256xi32, #tpu.memory_space<vmem>>
      %dma_start3A_935 = tpu.memref_squeeze %dma_start3A_934 : memref<1x256xi32, #tpu.memory_space<vmem>> -> memref<256xi32, #tpu.memory_space<vmem>>
      %dma_start3A_936 = arith.constant 0 : i32
      %dma_start3A_937 = arith.constant 0 : i32
      %dma_start3A_938 = tpu.memref_slice %arg2[%dma_start3A_936, %dma_start3A_937] : memref<100001x64xf32, #tpu.memory_space<hbm>> -> memref<100001x64xf32, #tpu.memory_space<hbm>>
      %dma_start3A_939 = tpu.memref_slice %arg7[%dma_start3A_929] : memref<4x!tpu.dma_semaphore, #tpu.memory_space<semaphore_mem>> -> memref<1x!tpu.dma_semaphore, #tpu.memory_space<semaphore_mem>>
      %dma_start3A_940 = tpu.memref_squeeze %dma_start3A_939 : memref<1x!tpu.dma_semaphore, #tpu.memory_space<semaphore_mem>> -> memref<!tpu.dma_semaphore, #tpu.memory_space<semaphore_mem>>
      tpu.enqueue_indirect_dma source(%dma_start3A_938 : memref<100001x64xf32, #tpu.memory_space<hbm>>) target(%dma_start3A_933 : memref<256x64xf32, #tpu.memory_space<vmem>>) offsets(%dma_start3A_935 : memref<256xi32, #tpu.memory_space<vmem>>) semaphore(%dma_start3A_940 : memref<!tpu.dma_semaphore, #tpu.memory_space<semaphore_mem>>)
    }
    %scan3A_66 = arith.constant 24 : i32
    %dma_wait3A = arith.constant 0 : i32
    %dma_wait3A_67 = arith.constant 0 : i32
    %dma_wait3A_68 = arith.constant 0 : i32
    %dma_wait3A_69 = arith.constant 0 : i32
    %dma_wait3A_70 = tpu.memref_slice %arg6[%dma_wait3A, %dma_wait3A_68, %dma_wait3A_69] : memref<4x256x64xf32, #tpu.memory_space<vmem>> -> memref<1x256x64xf32, #tpu.memory_space<vmem>>
    %dma_wait3A_71 = tpu.memref_squeeze %dma_wait3A_70 : memref<1x256x64xf32, #tpu.memory_space<vmem>> -> memref<256x64xf32, #tpu.memory_space<vmem>>
    %dma_wait3A_72 = arith.constant 0 : i32
    %dma_wait3A_73 = arith.constant 0 : i32
    %dma_wait3A_74 = tpu.memref_slice %arg2[%dma_wait3A_72, %dma_wait3A_73] : memref<100001x64xf32, #tpu.memory_space<hbm>> -> memref<256x64xf32, #tpu.memory_space<hbm>>
    %dma_wait3A_75 = tpu.memref_slice %arg7[%dma_wait3A_67] : memref<4x!tpu.dma_semaphore, #tpu.memory_space<semaphore_mem>> -> memref<1x!tpu.dma_semaphore, #tpu.memory_space<semaphore_mem>>
    %dma_wait3A_76 = tpu.memref_squeeze %dma_wait3A_75 : memref<1x!tpu.dma_semaphore, #tpu.memory_space<semaphore_mem>> -> memref<!tpu.dma_semaphore, #tpu.memory_space<semaphore_mem>>
    %dma_wait3A_77 = arith.constant 0 : i32
    %dma_wait3A_78 = arith.constant 0 : i32
    %dma_wait3A_79 = tpu.memref_slice %arg6[%dma_wait3A, %dma_wait3A_77, %dma_wait3A_78] : memref<4x256x64xf32, #tpu.memory_space<vmem>> -> memref<1x256x64xf32, #tpu.memory_space<vmem>>
    %dma_wait3A_80 = tpu.memref_squeeze %dma_wait3A_79 : memref<1x256x64xf32, #tpu.memory_space<vmem>> -> memref<256x64xf32, #tpu.memory_space<vmem>>
    %dma_wait3A_81 = arith.constant 0 : i32
    %dma_wait3A_82 = arith.constant 0 : i32
    %dma_wait3A_83 = tpu.memref_slice %arg2[%dma_wait3A_81, %dma_wait3A_82] : memref<100001x64xf32, #tpu.memory_space<hbm>> -> memref<256x64xf32, #tpu.memory_space<hbm>>
    tpu.wait_dma2 semaphore(%dma_wait3A_76 : memref<!tpu.dma_semaphore, #tpu.memory_space<semaphore_mem>>) src(%dma_wait3A_83 : memref<256x64xf32, #tpu.memory_space<hbm>>) dst(%dma_wait3A_80 : memref<256x64xf32, #tpu.memory_space<vmem>>)
    %add3A_84 = arith.constant 0 : i32
    %add3A_85 = arith.addi %mul3A_2, %add3A_84 : i32
    %dma_start3A_86 = arith.constant 0 : i32
    %dma_start3A_87 = arith.constant 48 : i32
    %dma_start3A_88 = arith.constant 0 : i32
    %dma_start3A_89 = arith.constant 0 : i32
    %dma_start3A_90 = arith.constant 0 : i32
    %dma_start3A_91 = tpu.memref_slice %arg6[%dma_start3A_86, %dma_start3A_89, %dma_start3A_90] : memref<4x256x64xf32, #tpu.memory_space<vmem>> -> memref<1x256x64xf32, #tpu.memory_space<vmem>>
    %dma_start3A_92 = tpu.memref_squeeze %dma_start3A_91 : memref<1x256x64xf32, #tpu.memory_space<vmem>> -> memref<256x64xf32, #tpu.memory_space<vmem>>
    %dma_start3A_93 = arith.constant 0 : i32
    %dma_start3A_94 = tpu.memref_slice %arg4[%dma_start3A_87, %add3A_85, %dma_start3A_93] : memref<50x16384x64xf32, #tpu.memory_space<hbm>> -> memref<1x256x64xf32, #tpu.memory_space<hbm>>
    %dma_start3A_95 = tpu.memref_squeeze %dma_start3A_94 : memref<1x256x64xf32, #tpu.memory_space<hbm>> -> memref<256x64xf32, #tpu.memory_space<hbm>>
    %dma_start3A_96 = tpu.memref_slice %arg8[%dma_start3A_88] : memref<4x!tpu.dma_semaphore, #tpu.memory_space<semaphore_mem>> -> memref<1x!tpu.dma_semaphore, #tpu.memory_space<semaphore_mem>>
    %dma_start3A_97 = tpu.memref_squeeze %dma_start3A_96 : memref<1x!tpu.dma_semaphore, #tpu.memory_space<semaphore_mem>> -> memref<!tpu.dma_semaphore, #tpu.memory_space<semaphore_mem>>
    %dma_start3A_98 = arith.constant 0 : i32
    %dma_start3A_99 = tpu.memref_slice %arg4[%dma_start3A_87, %add3A_85, %dma_start3A_98] : memref<50x16384x64xf32, #tpu.memory_space<hbm>> -> memref<1x256x64xf32, #tpu.memory_space<hbm>>
    %dma_start3A_100 = tpu.memref_squeeze %dma_start3A_99 : memref<1x256x64xf32, #tpu.memory_space<hbm>> -> memref<256x64xf32, #tpu.memory_space<hbm>>
    %dma_start3A_101 = arith.constant 0 : i32
    %dma_start3A_102 = arith.constant 0 : i32
    %dma_start3A_103 = tpu.memref_slice %arg6[%dma_start3A_86, %dma_start3A_101, %dma_start3A_102] : memref<4x256x64xf32, #tpu.memory_space<vmem>> -> memref<1x256x64xf32, #tpu.memory_space<vmem>>
    %dma_start3A_104 = tpu.memref_squeeze %dma_start3A_103 : memref<1x256x64xf32, #tpu.memory_space<vmem>> -> memref<256x64xf32, #tpu.memory_space<vmem>>
    tpu.enqueue_dma source(%dma_start3A_104 : memref<256x64xf32, #tpu.memory_space<vmem>>) target(%dma_start3A_100 : memref<256x64xf32, #tpu.memory_space<hbm>>) target_semaphore(%dma_start3A_97 : memref<!tpu.dma_semaphore, #tpu.memory_space<semaphore_mem>>)
    %dma_wait3A_105 = arith.constant 1 : i32
    %dma_wait3A_106 = arith.constant 1 : i32
    %dma_wait3A_107 = arith.constant 0 : i32
    %dma_wait3A_108 = arith.constant 0 : i32
    %dma_wait3A_109 = tpu.memref_slice %arg6[%dma_wait3A_105, %dma_wait3A_107, %dma_wait3A_108] : memref<4x256x64xf32, #tpu.memory_space<vmem>> -> memref<1x256x64xf32, #tpu.memory_space<vmem>>
    %dma_wait3A_110 = tpu.memref_squeeze %dma_wait3A_109 : memref<1x256x64xf32, #tpu.memory_space<vmem>> -> memref<256x64xf32, #tpu.memory_space<vmem>>
    %dma_wait3A_111 = arith.constant 0 : i32
    %dma_wait3A_112 = arith.constant 0 : i32
    %dma_wait3A_113 = tpu.memref_slice %arg2[%dma_wait3A_111, %dma_wait3A_112] : memref<100001x64xf32, #tpu.memory_space<hbm>> -> memref<256x64xf32, #tpu.memory_space<hbm>>
    %dma_wait3A_114 = tpu.memref_slice %arg7[%dma_wait3A_106] : memref<4x!tpu.dma_semaphore, #tpu.memory_space<semaphore_mem>> -> memref<1x!tpu.dma_semaphore, #tpu.memory_space<semaphore_mem>>
    %dma_wait3A_115 = tpu.memref_squeeze %dma_wait3A_114 : memref<1x!tpu.dma_semaphore, #tpu.memory_space<semaphore_mem>> -> memref<!tpu.dma_semaphore, #tpu.memory_space<semaphore_mem>>
    %dma_wait3A_116 = arith.constant 0 : i32
    %dma_wait3A_117 = arith.constant 0 : i32
    %dma_wait3A_118 = tpu.memref_slice %arg6[%dma_wait3A_105, %dma_wait3A_116, %dma_wait3A_117] : memref<4x256x64xf32, #tpu.memory_space<vmem>> -> memref<1x256x64xf32, #tpu.memory_space<vmem>>
    %dma_wait3A_119 = tpu.memref_squeeze %dma_wait3A_118 : memref<1x256x64xf32, #tpu.memory_space<vmem>> -> memref<256x64xf32, #tpu.memory_space<vmem>>
    %dma_wait3A_120 = arith.constant 0 : i32
    %dma_wait3A_121 = arith.constant 0 : i32
    %dma_wait3A_122 = tpu.memref_slice %arg2[%dma_wait3A_120, %dma_wait3A_121] : memref<100001x64xf32, #tpu.memory_space<hbm>> -> memref<256x64xf32, #tpu.memory_space<hbm>>
    tpu.wait_dma2 semaphore(%dma_wait3A_115 : memref<!tpu.dma_semaphore, #tpu.memory_space<semaphore_mem>>) src(%dma_wait3A_122 : memref<256x64xf32, #tpu.memory_space<hbm>>) dst(%dma_wait3A_119 : memref<256x64xf32, #tpu.memory_space<vmem>>)
    %add3A_123 = arith.constant 256 : i32
    %add3A_124 = arith.addi %mul3A_2, %add3A_123 : i32
    %dma_start3A_125 = arith.constant 1 : i32
    %dma_start3A_126 = arith.constant 48 : i32
    %dma_start3A_127 = arith.constant 1 : i32
    %dma_start3A_128 = arith.constant 0 : i32
    %dma_start3A_129 = arith.constant 0 : i32
    %dma_start3A_130 = tpu.memref_slice %arg6[%dma_start3A_125, %dma_start3A_128, %dma_start3A_129] : memref<4x256x64xf32, #tpu.memory_space<vmem>> -> memref<1x256x64xf32, #tpu.memory_space<vmem>>
    %dma_start3A_131 = tpu.memref_squeeze %dma_start3A_130 : memref<1x256x64xf32, #tpu.memory_space<vmem>> -> memref<256x64xf32, #tpu.memory_space<vmem>>
    %dma_start3A_132 = arith.constant 0 : i32
    %dma_start3A_133 = tpu.memref_slice %arg4[%dma_start3A_126, %add3A_124, %dma_start3A_132] : memref<50x16384x64xf32, #tpu.memory_space<hbm>> -> memref<1x256x64xf32, #tpu.memory_space<hbm>>
    %dma_start3A_134 = tpu.memref_squeeze %dma_start3A_133 : memref<1x256x64xf32, #tpu.memory_space<hbm>> -> memref<256x64xf32, #tpu.memory_space<hbm>>
    %dma_start3A_135 = tpu.memref_slice %arg8[%dma_start3A_127] : memref<4x!tpu.dma_semaphore, #tpu.memory_space<semaphore_mem>> -> memref<1x!tpu.dma_semaphore, #tpu.memory_space<semaphore_mem>>
    %dma_start3A_136 = tpu.memref_squeeze %dma_start3A_135 : memref<1x!tpu.dma_semaphore, #tpu.memory_space<semaphore_mem>> -> memref<!tpu.dma_semaphore, #tpu.memory_space<semaphore_mem>>
    %dma_start3A_137 = arith.constant 0 : i32
    %dma_start3A_138 = tpu.memref_slice %arg4[%dma_start3A_126, %add3A_124, %dma_start3A_137] : memref<50x16384x64xf32, #tpu.memory_space<hbm>> -> memref<1x256x64xf32, #tpu.memory_space<hbm>>
    %dma_start3A_139 = tpu.memref_squeeze %dma_start3A_138 : memref<1x256x64xf32, #tpu.memory_space<hbm>> -> memref<256x64xf32, #tpu.memory_space<hbm>>
    %dma_start3A_140 = arith.constant 0 : i32
    %dma_start3A_141 = arith.constant 0 : i32
    %dma_start3A_142 = tpu.memref_slice %arg6[%dma_start3A_125, %dma_start3A_140, %dma_start3A_141] : memref<4x256x64xf32, #tpu.memory_space<vmem>> -> memref<1x256x64xf32, #tpu.memory_space<vmem>>
    %dma_start3A_143 = tpu.memref_squeeze %dma_start3A_142 : memref<1x256x64xf32, #tpu.memory_space<vmem>> -> memref<256x64xf32, #tpu.memory_space<vmem>>
    tpu.enqueue_dma source(%dma_start3A_143 : memref<256x64xf32, #tpu.memory_space<vmem>>) target(%dma_start3A_139 : memref<256x64xf32, #tpu.memory_space<hbm>>) target_semaphore(%dma_start3A_136 : memref<!tpu.dma_semaphore, #tpu.memory_space<semaphore_mem>>)
    %dma_wait3A_144 = arith.constant 2 : i32
    %dma_wait3A_145 = arith.constant 2 : i32
    %dma_wait3A_146 = arith.constant 0 : i32
    %dma_wait3A_147 = arith.constant 0 : i32
    %dma_wait3A_148 = tpu.memref_slice %arg6[%dma_wait3A_144, %dma_wait3A_146, %dma_wait3A_147] : memref<4x256x64xf32, #tpu.memory_space<vmem>> -> memref<1x256x64xf32, #tpu.memory_space<vmem>>
    %dma_wait3A_149 = tpu.memref_squeeze %dma_wait3A_148 : memref<1x256x64xf32, #tpu.memory_space<vmem>> -> memref<256x64xf32, #tpu.memory_space<vmem>>
    %dma_wait3A_150 = arith.constant 0 : i32
    %dma_wait3A_151 = arith.constant 0 : i32
    %dma_wait3A_152 = tpu.memref_slice %arg2[%dma_wait3A_150, %dma_wait3A_151] : memref<100001x64xf32, #tpu.memory_space<hbm>> -> memref<256x64xf32, #tpu.memory_space<hbm>>
    %dma_wait3A_153 = tpu.memref_slice %arg7[%dma_wait3A_145] : memref<4x!tpu.dma_semaphore, #tpu.memory_space<semaphore_mem>> -> memref<1x!tpu.dma_semaphore, #tpu.memory_space<semaphore_mem>>
    %dma_wait3A_154 = tpu.memref_squeeze %dma_wait3A_153 : memref<1x!tpu.dma_semaphore, #tpu.memory_space<semaphore_mem>> -> memref<!tpu.dma_semaphore, #tpu.memory_space<semaphore_mem>>
    %dma_wait3A_155 = arith.constant 0 : i32
    %dma_wait3A_156 = arith.constant 0 : i32
    %dma_wait3A_157 = tpu.memref_slice %arg6[%dma_wait3A_144, %dma_wait3A_155, %dma_wait3A_156] : memref<4x256x64xf32, #tpu.memory_space<vmem>> -> memref<1x256x64xf32, #tpu.memory_space<vmem>>
    %dma_wait3A_158 = tpu.memref_squeeze %dma_wait3A_157 : memref<1x256x64xf32, #tpu.memory_space<vmem>> -> memref<256x64xf32, #tpu.memory_space<vmem>>
    %dma_wait3A_159 = arith.constant 0 : i32
    %dma_wait3A_160 = arith.constant 0 : i32
    %dma_wait3A_161 = tpu.memref_slice %arg2[%dma_wait3A_159, %dma_wait3A_160] : memref<100001x64xf32, #tpu.memory_space<hbm>> -> memref<256x64xf32, #tpu.memory_space<hbm>>
    tpu.wait_dma2 semaphore(%dma_wait3A_154 : memref<!tpu.dma_semaphore, #tpu.memory_space<semaphore_mem>>) src(%dma_wait3A_161 : memref<256x64xf32, #tpu.memory_space<hbm>>) dst(%dma_wait3A_158 : memref<256x64xf32, #tpu.memory_space<vmem>>)
    %add3A_162 = arith.constant 0 : i32
    %add3A_163 = arith.addi %mul3A_2, %add3A_162 : i32
    %dma_start3A_164 = arith.constant 2 : i32
    %dma_start3A_165 = arith.constant 49 : i32
    %dma_start3A_166 = arith.constant 2 : i32
    %dma_start3A_167 = arith.constant 0 : i32
    %dma_start3A_168 = arith.constant 0 : i32
    %dma_start3A_169 = tpu.memref_slice %arg6[%dma_start3A_164, %dma_start3A_167, %dma_start3A_168] : memref<4x256x64xf32, #tpu.memory_space<vmem>> -> memref<1x256x64xf32, #tpu.memory_space<vmem>>
    %dma_start3A_170 = tpu.memref_squeeze %dma_start3A_169 : memref<1x256x64xf32, #tpu.memory_space<vmem>> -> memref<256x64xf32, #tpu.memory_space<vmem>>
    %dma_start3A_171 = arith.constant 0 : i32
    %dma_start3A_172 = tpu.memref_slice %arg4[%dma_start3A_165, %add3A_163, %dma_start3A_171] : memref<50x16384x64xf32, #tpu.memory_space<hbm>> -> memref<1x256x64xf32, #tpu.memory_space<hbm>>
    %dma_start3A_173 = tpu.memref_squeeze %dma_start3A_172 : memref<1x256x64xf32, #tpu.memory_space<hbm>> -> memref<256x64xf32, #tpu.memory_space<hbm>>
    %dma_start3A_174 = tpu.memref_slice %arg8[%dma_start3A_166] : memref<4x!tpu.dma_semaphore, #tpu.memory_space<semaphore_mem>> -> memref<1x!tpu.dma_semaphore, #tpu.memory_space<semaphore_mem>>
    %dma_start3A_175 = tpu.memref_squeeze %dma_start3A_174 : memref<1x!tpu.dma_semaphore, #tpu.memory_space<semaphore_mem>> -> memref<!tpu.dma_semaphore, #tpu.memory_space<semaphore_mem>>
    %dma_start3A_176 = arith.constant 0 : i32
    %dma_start3A_177 = tpu.memref_slice %arg4[%dma_start3A_165, %add3A_163, %dma_start3A_176] : memref<50x16384x64xf32, #tpu.memory_space<hbm>> -> memref<1x256x64xf32, #tpu.memory_space<hbm>>
    %dma_start3A_178 = tpu.memref_squeeze %dma_start3A_177 : memref<1x256x64xf32, #tpu.memory_space<hbm>> -> memref<256x64xf32, #tpu.memory_space<hbm>>
    %dma_start3A_179 = arith.constant 0 : i32
    %dma_start3A_180 = arith.constant 0 : i32
    %dma_start3A_181 = tpu.memref_slice %arg6[%dma_start3A_164, %dma_start3A_179, %dma_start3A_180] : memref<4x256x64xf32, #tpu.memory_space<vmem>> -> memref<1x256x64xf32, #tpu.memory_space<vmem>>
    %dma_start3A_182 = tpu.memref_squeeze %dma_start3A_181 : memref<1x256x64xf32, #tpu.memory_space<vmem>> -> memref<256x64xf32, #tpu.memory_space<vmem>>
    tpu.enqueue_dma source(%dma_start3A_182 : memref<256x64xf32, #tpu.memory_space<vmem>>) target(%dma_start3A_178 : memref<256x64xf32, #tpu.memory_space<hbm>>) target_semaphore(%dma_start3A_175 : memref<!tpu.dma_semaphore, #tpu.memory_space<semaphore_mem>>)
    %dma_wait3A_183 = arith.constant 3 : i32
    %dma_wait3A_184 = arith.constant 3 : i32
    %dma_wait3A_185 = arith.constant 0 : i32
    %dma_wait3A_186 = arith.constant 0 : i32
    %dma_wait3A_187 = tpu.memref_slice %arg6[%dma_wait3A_183, %dma_wait3A_185, %dma_wait3A_186] : memref<4x256x64xf32, #tpu.memory_space<vmem>> -> memref<1x256x64xf32, #tpu.memory_space<vmem>>
    %dma_wait3A_188 = tpu.memref_squeeze %dma_wait3A_187 : memref<1x256x64xf32, #tpu.memory_space<vmem>> -> memref<256x64xf32, #tpu.memory_space<vmem>>
    %dma_wait3A_189 = arith.constant 0 : i32
    %dma_wait3A_190 = arith.constant 0 : i32
    %dma_wait3A_191 = tpu.memref_slice %arg2[%dma_wait3A_189, %dma_wait3A_190] : memref<100001x64xf32, #tpu.memory_space<hbm>> -> memref<256x64xf32, #tpu.memory_space<hbm>>
    %dma_wait3A_192 = tpu.memref_slice %arg7[%dma_wait3A_184] : memref<4x!tpu.dma_semaphore, #tpu.memory_space<semaphore_mem>> -> memref<1x!tpu.dma_semaphore, #tpu.memory_space<semaphore_mem>>
    %dma_wait3A_193 = tpu.memref_squeeze %dma_wait3A_192 : memref<1x!tpu.dma_semaphore, #tpu.memory_space<semaphore_mem>> -> memref<!tpu.dma_semaphore, #tpu.memory_space<semaphore_mem>>
    %dma_wait3A_194 = arith.constant 0 : i32
    %dma_wait3A_195 = arith.constant 0 : i32
    %dma_wait3A_196 = tpu.memref_slice %arg6[%dma_wait3A_183, %dma_wait3A_194, %dma_wait3A_195] : memref<4x256x64xf32, #tpu.memory_space<vmem>> -> memref<1x256x64xf32, #tpu.memory_space<vmem>>
    %dma_wait3A_197 = tpu.memref_squeeze %dma_wait3A_196 : memref<1x256x64xf32, #tpu.memory_space<vmem>> -> memref<256x64xf32, #tpu.memory_space<vmem>>
    %dma_wait3A_198 = arith.constant 0 : i32
    %dma_wait3A_199 = arith.constant 0 : i32
    %dma_wait3A_200 = tpu.memref_slice %arg2[%dma_wait3A_198, %dma_wait3A_199] : memref<100001x64xf32, #tpu.memory_space<hbm>> -> memref<256x64xf32, #tpu.memory_space<hbm>>
    tpu.wait_dma2 semaphore(%dma_wait3A_193 : memref<!tpu.dma_semaphore, #tpu.memory_space<semaphore_mem>>) src(%dma_wait3A_200 : memref<256x64xf32, #tpu.memory_space<hbm>>) dst(%dma_wait3A_197 : memref<256x64xf32, #tpu.memory_space<vmem>>)
    %add3A_201 = arith.constant 256 : i32
    %add3A_202 = arith.addi %mul3A_2, %add3A_201 : i32
    %dma_start3A_203 = arith.constant 3 : i32
    %dma_start3A_204 = arith.constant 49 : i32
    %dma_start3A_205 = arith.constant 3 : i32
    %dma_start3A_206 = arith.constant 0 : i32
    %dma_start3A_207 = arith.constant 0 : i32
    %dma_start3A_208 = tpu.memref_slice %arg6[%dma_start3A_203, %dma_start3A_206, %dma_start3A_207] : memref<4x256x64xf32, #tpu.memory_space<vmem>> -> memref<1x256x64xf32, #tpu.memory_space<vmem>>
    %dma_start3A_209 = tpu.memref_squeeze %dma_start3A_208 : memref<1x256x64xf32, #tpu.memory_space<vmem>> -> memref<256x64xf32, #tpu.memory_space<vmem>>
    %dma_start3A_210 = arith.constant 0 : i32
    %dma_start3A_211 = tpu.memref_slice %arg4[%dma_start3A_204, %add3A_202, %dma_start3A_210] : memref<50x16384x64xf32, #tpu.memory_space<hbm>> -> memref<1x256x64xf32, #tpu.memory_space<hbm>>
    %dma_start3A_212 = tpu.memref_squeeze %dma_start3A_211 : memref<1x256x64xf32, #tpu.memory_space<hbm>> -> memref<256x64xf32, #tpu.memory_space<hbm>>
    %dma_start3A_213 = tpu.memref_slice %arg8[%dma_start3A_205] : memref<4x!tpu.dma_semaphore, #tpu.memory_space<semaphore_mem>> -> memref<1x!tpu.dma_semaphore, #tpu.memory_space<semaphore_mem>>
    %dma_start3A_214 = tpu.memref_squeeze %dma_start3A_213 : memref<1x!tpu.dma_semaphore, #tpu.memory_space<semaphore_mem>> -> memref<!tpu.dma_semaphore, #tpu.memory_space<semaphore_mem>>
    %dma_start3A_215 = arith.constant 0 : i32
    %dma_start3A_216 = tpu.memref_slice %arg4[%dma_start3A_204, %add3A_202, %dma_start3A_215] : memref<50x16384x64xf32, #tpu.memory_space<hbm>> -> memref<1x256x64xf32, #tpu.memory_space<hbm>>
    %dma_start3A_217 = tpu.memref_squeeze %dma_start3A_216 : memref<1x256x64xf32, #tpu.memory_space<hbm>> -> memref<256x64xf32, #tpu.memory_space<hbm>>
    %dma_start3A_218 = arith.constant 0 : i32
    %dma_start3A_219 = arith.constant 0 : i32
    %dma_start3A_220 = tpu.memref_slice %arg6[%dma_start3A_203, %dma_start3A_218, %dma_start3A_219] : memref<4x256x64xf32, #tpu.memory_space<vmem>> -> memref<1x256x64xf32, #tpu.memory_space<vmem>>
    %dma_start3A_221 = tpu.memref_squeeze %dma_start3A_220 : memref<1x256x64xf32, #tpu.memory_space<vmem>> -> memref<256x64xf32, #tpu.memory_space<vmem>>
    tpu.enqueue_dma source(%dma_start3A_221 : memref<256x64xf32, #tpu.memory_space<vmem>>) target(%dma_start3A_217 : memref<256x64xf32, #tpu.memory_space<hbm>>) target_semaphore(%dma_start3A_214 : memref<!tpu.dma_semaphore, #tpu.memory_space<semaphore_mem>>)
    %dma_wait3A_222 = arith.constant 0 : i32
    %dma_wait3A_223 = arith.constant 0 : i32
    %dma_wait3A_224 = arith.constant 0 : i32
    %dma_wait3A_225 = arith.constant 0 : i32
    %dma_wait3A_226 = arith.constant 0 : i32
    %dma_wait3A_227 = tpu.memref_slice %arg6[%dma_wait3A_222, %dma_wait3A_225, %dma_wait3A_226] : memref<4x256x64xf32, #tpu.memory_space<vmem>> -> memref<1x256x64xf32, #tpu.memory_space<vmem>>
    %dma_wait3A_228 = tpu.memref_squeeze %dma_wait3A_227 : memref<1x256x64xf32, #tpu.memory_space<vmem>> -> memref<256x64xf32, #tpu.memory_space<vmem>>
    %dma_wait3A_229 = arith.constant 0 : i32
    %dma_wait3A_230 = arith.constant 0 : i32
    %dma_wait3A_231 = tpu.memref_slice %arg4[%dma_wait3A_223, %dma_wait3A_229, %dma_wait3A_230] : memref<50x16384x64xf32, #tpu.memory_space<hbm>> -> memref<1x256x64xf32, #tpu.memory_space<hbm>>
    %dma_wait3A_232 = tpu.memref_squeeze %dma_wait3A_231 : memref<1x256x64xf32, #tpu.memory_space<hbm>> -> memref<256x64xf32, #tpu.memory_space<hbm>>
    %dma_wait3A_233 = tpu.memref_slice %arg8[%dma_wait3A_224] : memref<4x!tpu.dma_semaphore, #tpu.memory_space<semaphore_mem>> -> memref<1x!tpu.dma_semaphore, #tpu.memory_space<semaphore_mem>>
    %dma_wait3A_234 = tpu.memref_squeeze %dma_wait3A_233 : memref<1x!tpu.dma_semaphore, #tpu.memory_space<semaphore_mem>> -> memref<!tpu.dma_semaphore, #tpu.memory_space<semaphore_mem>>
    %dma_wait3A_235 = arith.constant 0 : i32
    %dma_wait3A_236 = arith.constant 0 : i32
    %dma_wait3A_237 = tpu.memref_slice %arg4[%dma_wait3A_223, %dma_wait3A_235, %dma_wait3A_236] : memref<50x16384x64xf32, #tpu.memory_space<hbm>> -> memref<1x256x64xf32, #tpu.memory_space<hbm>>
    %dma_wait3A_238 = tpu.memref_squeeze %dma_wait3A_237 : memref<1x256x64xf32, #tpu.memory_space<hbm>> -> memref<256x64xf32, #tpu.memory_space<hbm>>
    %dma_wait3A_239 = arith.constant 0 : i32
    %dma_wait3A_240 = arith.constant 0 : i32
    %dma_wait3A_241 = tpu.memref_slice %arg6[%dma_wait3A_222, %dma_wait3A_239, %dma_wait3A_240] : memref<4x256x64xf32, #tpu.memory_space<vmem>> -> memref<1x256x64xf32, #tpu.memory_space<vmem>>
    %dma_wait3A_242 = tpu.memref_squeeze %dma_wait3A_241 : memref<1x256x64xf32, #tpu.memory_space<vmem>> -> memref<256x64xf32, #tpu.memory_space<vmem>>
    tpu.wait_dma2 semaphore(%dma_wait3A_234 : memref<!tpu.dma_semaphore, #tpu.memory_space<semaphore_mem>>) src(%dma_wait3A_242 : memref<256x64xf32, #tpu.memory_space<vmem>>) dst(%dma_wait3A_238 : memref<256x64xf32, #tpu.memory_space<hbm>>)
    %dma_wait3A_243 = arith.constant 1 : i32
    %dma_wait3A_244 = arith.constant 0 : i32
    %dma_wait3A_245 = arith.constant 1 : i32
    %dma_wait3A_246 = arith.constant 0 : i32
    %dma_wait3A_247 = arith.constant 0 : i32
    %dma_wait3A_248 = tpu.memref_slice %arg6[%dma_wait3A_243, %dma_wait3A_246, %dma_wait3A_247] : memref<4x256x64xf32, #tpu.memory_space<vmem>> -> memref<1x256x64xf32, #tpu.memory_space<vmem>>
    %dma_wait3A_249 = tpu.memref_squeeze %dma_wait3A_248 : memref<1x256x64xf32, #tpu.memory_space<vmem>> -> memref<256x64xf32, #tpu.memory_space<vmem>>
    %dma_wait3A_250 = arith.constant 0 : i32
    %dma_wait3A_251 = arith.constant 0 : i32
    %dma_wait3A_252 = tpu.memref_slice %arg4[%dma_wait3A_244, %dma_wait3A_250, %dma_wait3A_251] : memref<50x16384x64xf32, #tpu.memory_space<hbm>> -> memref<1x256x64xf32, #tpu.memory_space<hbm>>
    %dma_wait3A_253 = tpu.memref_squeeze %dma_wait3A_252 : memref<1x256x64xf32, #tpu.memory_space<hbm>> -> memref<256x64xf32, #tpu.memory_space<hbm>>
    %dma_wait3A_254 = tpu.memref_slice %arg8[%dma_wait3A_245] : memref<4x!tpu.dma_semaphore, #tpu.memory_space<semaphore_mem>> -> memref<1x!tpu.dma_semaphore, #tpu.memory_space<semaphore_mem>>
    %dma_wait3A_255 = tpu.memref_squeeze %dma_wait3A_254 : memref<1x!tpu.dma_semaphore, #tpu.memory_space<semaphore_mem>> -> memref<!tpu.dma_semaphore, #tpu.memory_space<semaphore_mem>>
    %dma_wait3A_256 = arith.constant 0 : i32
    %dma_wait3A_257 = arith.constant 0 : i32
    %dma_wait3A_258 = tpu.memref_slice %arg4[%dma_wait3A_244, %dma_wait3A_256, %dma_wait3A_257] : memref<50x16384x64xf32, #tpu.memory_space<hbm>> -> memref<1x256x64xf32, #tpu.memory_space<hbm>>
    %dma_wait3A_259 = tpu.memref_squeeze %dma_wait3A_258 : memref<1x256x64xf32, #tpu.memory_space<hbm>> -> memref<256x64xf32, #tpu.memory_space<hbm>>
    %dma_wait3A_260 = arith.constant 0 : i32
    %dma_wait3A_261 = arith.constant 0 : i32
    %dma_wait3A_262 = tpu.memref_slice %arg6[%dma_wait3A_243, %dma_wait3A_260, %dma_wait3A_261] : memref<4x256x64xf32, #tpu.memory_space<vmem>> -> memref<1x256x64xf32, #tpu.memory_space<vmem>>
    %dma_wait3A_263 = tpu.memref_squeeze %dma_wait3A_262 : memref<1x256x64xf32, #tpu.memory_space<vmem>> -> memref<256x64xf32, #tpu.memory_space<vmem>>
    tpu.wait_dma2 semaphore(%dma_wait3A_255 : memref<!tpu.dma_semaphore, #tpu.memory_space<semaphore_mem>>) src(%dma_wait3A_263 : memref<256x64xf32, #tpu.memory_space<vmem>>) dst(%dma_wait3A_259 : memref<256x64xf32, #tpu.memory_space<hbm>>)
    %dma_wait3A_264 = arith.constant 2 : i32
    %dma_wait3A_265 = arith.constant 0 : i32
    %dma_wait3A_266 = arith.constant 2 : i32
    %dma_wait3A_267 = arith.constant 0 : i32
    %dma_wait3A_268 = arith.constant 0 : i32
    %dma_wait3A_269 = tpu.memref_slice %arg6[%dma_wait3A_264, %dma_wait3A_267, %dma_wait3A_268] : memref<4x256x64xf32, #tpu.memory_space<vmem>> -> memref<1x256x64xf32, #tpu.memory_space<vmem>>
    %dma_wait3A_270 = tpu.memref_squeeze %dma_wait3A_269 : memref<1x256x64xf32, #tpu.memory_space<vmem>> -> memref<256x64xf32, #tpu.memory_space<vmem>>
    %dma_wait3A_271 = arith.constant 0 : i32
    %dma_wait3A_272 = arith.constant 0 : i32
    %dma_wait3A_273 = tpu.memref_slice %arg4[%dma_wait3A_265, %dma_wait3A_271, %dma_wait3A_272] : memref<50x16384x64xf32, #tpu.memory_space<hbm>> -> memref<1x256x64xf32, #tpu.memory_space<hbm>>
    %dma_wait3A_274 = tpu.memref_squeeze %dma_wait3A_273 : memref<1x256x64xf32, #tpu.memory_space<hbm>> -> memref<256x64xf32, #tpu.memory_space<hbm>>
    %dma_wait3A_275 = tpu.memref_slice %arg8[%dma_wait3A_266] : memref<4x!tpu.dma_semaphore, #tpu.memory_space<semaphore_mem>> -> memref<1x!tpu.dma_semaphore, #tpu.memory_space<semaphore_mem>>
    %dma_wait3A_276 = tpu.memref_squeeze %dma_wait3A_275 : memref<1x!tpu.dma_semaphore, #tpu.memory_space<semaphore_mem>> -> memref<!tpu.dma_semaphore, #tpu.memory_space<semaphore_mem>>
    %dma_wait3A_277 = arith.constant 0 : i32
    %dma_wait3A_278 = arith.constant 0 : i32
    %dma_wait3A_279 = tpu.memref_slice %arg4[%dma_wait3A_265, %dma_wait3A_277, %dma_wait3A_278] : memref<50x16384x64xf32, #tpu.memory_space<hbm>> -> memref<1x256x64xf32, #tpu.memory_space<hbm>>
    %dma_wait3A_280 = tpu.memref_squeeze %dma_wait3A_279 : memref<1x256x64xf32, #tpu.memory_space<hbm>> -> memref<256x64xf32, #tpu.memory_space<hbm>>
    %dma_wait3A_281 = arith.constant 0 : i32
    %dma_wait3A_282 = arith.constant 0 : i32
    %dma_wait3A_283 = tpu.memref_slice %arg6[%dma_wait3A_264, %dma_wait3A_281, %dma_wait3A_282] : memref<4x256x64xf32, #tpu.memory_space<vmem>> -> memref<1x256x64xf32, #tpu.memory_space<vmem>>
    %dma_wait3A_284 = tpu.memref_squeeze %dma_wait3A_283 : memref<1x256x64xf32, #tpu.memory_space<vmem>> -> memref<256x64xf32, #tpu.memory_space<vmem>>
    tpu.wait_dma2 semaphore(%dma_wait3A_276 : memref<!tpu.dma_semaphore, #tpu.memory_space<semaphore_mem>>) src(%dma_wait3A_284 : memref<256x64xf32, #tpu.memory_space<vmem>>) dst(%dma_wait3A_280 : memref<256x64xf32, #tpu.memory_space<hbm>>)
    %dma_wait3A_285 = arith.constant 3 : i32
    %dma_wait3A_286 = arith.constant 0 : i32
    %dma_wait3A_287 = arith.constant 3 : i32
    %dma_wait3A_288 = arith.constant 0 : i32
    %dma_wait3A_289 = arith.constant 0 : i32
    %dma_wait3A_290 = tpu.memref_slice %arg6[%dma_wait3A_285, %dma_wait3A_288, %dma_wait3A_289] : memref<4x256x64xf32, #tpu.memory_space<vmem>> -> memref<1x256x64xf32, #tpu.memory_space<vmem>>
    %dma_wait3A_291 = tpu.memref_squeeze %dma_wait3A_290 : memref<1x256x64xf32, #tpu.memory_space<vmem>> -> memref<256x64xf32, #tpu.memory_space<vmem>>
    %dma_wait3A_292 = arith.constant 0 : i32
    %dma_wait3A_293 = arith.constant 0 : i32
    %dma_wait3A_294 = tpu.memref_slice %arg4[%dma_wait3A_286, %dma_wait3A_292, %dma_wait3A_293] : memref<50x16384x64xf32, #tpu.memory_space<hbm>> -> memref<1x256x64xf32, #tpu.memory_space<hbm>>
    %dma_wait3A_295 = tpu.memref_squeeze %dma_wait3A_294 : memref<1x256x64xf32, #tpu.memory_space<hbm>> -> memref<256x64xf32, #tpu.memory_space<hbm>>
    %dma_wait3A_296 = tpu.memref_slice %arg8[%dma_wait3A_287] : memref<4x!tpu.dma_semaphore, #tpu.memory_space<semaphore_mem>> -> memref<1x!tpu.dma_semaphore, #tpu.memory_space<semaphore_mem>>
    %dma_wait3A_297 = tpu.memref_squeeze %dma_wait3A_296 : memref<1x!tpu.dma_semaphore, #tpu.memory_space<semaphore_mem>> -> memref<!tpu.dma_semaphore, #tpu.memory_space<semaphore_mem>>
    %dma_wait3A_298 = arith.constant 0 : i32
    %dma_wait3A_299 = arith.constant 0 : i32
    %dma_wait3A_300 = tpu.memref_slice %arg4[%dma_wait3A_286, %dma_wait3A_298, %dma_wait3A_299] : memref<50x16384x64xf32, #tpu.memory_space<hbm>> -> memref<1x256x64xf32, #tpu.memory_space<hbm>>
    %dma_wait3A_301 = tpu.memref_squeeze %dma_wait3A_300 : memref<1x256x64xf32, #tpu.memory_space<hbm>> -> memref<256x64xf32, #tpu.memory_space<hbm>>
    %dma_wait3A_302 = arith.constant 0 : i32
    %dma_wait3A_303 = arith.constant 0 : i32
    %dma_wait3A_304 = tpu.memref_slice %arg6[%dma_wait3A_285, %dma_wait3A_302, %dma_wait3A_303] : memref<4x256x64xf32, #tpu.memory_space<vmem>> -> memref<1x256x64xf32, #tpu.memory_space<vmem>>
    %dma_wait3A_305 = tpu.memref_squeeze %dma_wait3A_304 : memref<1x256x64xf32, #tpu.memory_space<vmem>> -> memref<256x64xf32, #tpu.memory_space<vmem>>
    tpu.wait_dma2 semaphore(%dma_wait3A_297 : memref<!tpu.dma_semaphore, #tpu.memory_space<semaphore_mem>>) src(%dma_wait3A_305 : memref<256x64xf32, #tpu.memory_space<vmem>>) dst(%dma_wait3A_301 : memref<256x64xf32, #tpu.memory_space<hbm>>)
    return
  }
}

</mosaic_0001>

<sc_bundles>
// kernel: _embed.3.cloned.1.call-start
scs
__scs_entry_jumppad:
0x0: {  	(pc) =	sbr.rel $0x88, $3  }
0x1: {  	(tag) =	ssettag $0x0;
	lr =	simm.s32 $0x1  }
0x2: {  	[smem:$0x3F9F] =	sst lr;
	_ =	strace $0xD0000000  }
0x3: {  	_ = 	snop  }
0x4: {  	_ = 	snop  }
0x5: {  	_ = 	snop  }
0x6: {  	_ = 	snop  }
0x7: {  	_ = 	snop  }
__scs_overlays_trampoline_lowered:
0x8: {  	[smem:$0x3FAE] =	sst s0  }
0x9: {  	[smem:$0x3FAF] =	sst s1  }
0xa: {  	[smem:$0x3FB0] =	sst s2  }
0xb: {  	[smem:$0x3FB1] =	sst s3  }
0xc: {  	[smem:$0x3FB2] =	sst s4  }
0xd: {  	[smem:$0x3FB3] =	sst s5  }
0xe: {  	[smem:$0x3FB4] =	sst s6  }
0xf: {  	[smem:$0x3FB5] =	sst s7  }
0x10: {  	[smem:$0x3FB6] =	sst s8  }
0x11: {  	[smem:$0x3FB7] =	sst s9;
	s0 =	simm.s32 @!p0 $0x0  }
0x12: {  	s1 =	sld [smem:$0x3F9D];
	s0 =	simm.s32 @p0 $0x1  }
0x13: {  	[smem:$0x3FB8] =	sst s0;
	s0 =	simm.s32 @!p1 $0x0  }
0x14: {  	s2 =	sld [smem:$0x3F9C];
	s0 =	simm.s32 @p1 $0x1  }
0x15: {  	[smem:$0x3FB9] =	sst s0;
	s0 =	simm.s32 @!p2 $0x0  }
0x16: {  	s3 =	sld [smem:$0x3FDB];
	s0 =	simm.s32 @p2 $0x1  }
0x17: {  	s4 =	simm.s32 $0x1BF5;
	[smem:$0x3FBB] =	sst s0  }
0x18: {  	s0 =	sld [smem:$0x3F9E];
	_ =	swait.ge [sflag:s4], $0x0  }
0x19: {  	s7 =	sld [smem:$0x3F9F]  }
0x1a: {  	s8 =	sadd.s32 $0xFFFFE003, lr  }
0x1b: {  	s9 =	sadd.s32 $0xFFFFFEF7, lr;
	s5 =	simm.s32 $0xFFFFFFFF;
	p2 =	slt.u32 s8, $0xFFFFF086  }
0x1c: {  	p1 =	slt.u32 s9, $0xF7A;
	s5 =	simm.s32 @!p2 $0x0  }
0x1d: {  	s5 =	simm.s32 @p1 $0x1;
	p0 =	seq.s32 s7, s2  }
0x1e: {  	s7 =	smul.u32 @!p0 $0xF7A, s2;
	p2 =	seq.s32 @!p0 s5, $0x0  }
0x1f: {  	s9 =	smul.u32 $0xF7A, s1;
	s8 =	simm.s32 @!p0 $0x1BF5;
	p2 =	por !p2, p0  }
0x20: {  	[sflag:s8] =	ssyncset.s32 @!p0 $0xFFFFF086;
	s6 =	sadd.s32 @!p0 s3, s7;
	s7 =	simm.s32 @!p0 $0x108  }
0x21: {  	s3 =	sadd.s32 s3, s9;
	s6 =	sadd.s32 @!p0 $0x88, s6;
	s7 =	simm.s32 @p2 $0x1082  }
0x22: {  	[simem:s7], [sflag:s8] =	dma.local @!p0 [hbm:s6], $0xF7A  }
0x23: {  	s9 =	sor.u32 $0xD0000000, s2;
	s6 =	simm.s32 $0x108;
	_ =	swait.ge @!p0 [sflag:s8], $0x0  }
0x24: {  	s3 =	sadd.s32 $0x88, s3;
	s6 =	simm.s32 @!p1 $0x1082;
	[sflag:s4] =	ssyncset.s32 $0xFFFFF086  }
0x25: {  	[simem:s6], [sflag:s4] =	dma.local [hbm:s3], $0xF7A  }
0x26: {  	[smem:$0x3F9F] =	sst s1;
	(tag) =	ssettag s2;
	_ =	strace s9  }
0x27: {  	s1 =	sld [smem:$0x3FAF]  }
0x28: {  	s2 =	sld [smem:$0x3FB0]  }
0x29: {  	s4 =	sld [smem:$0x3FB2]  }
0x2a: {  	p0 =	seq.s32 s5, $0x0;
	s5 =	sld [smem:$0x3FB3]  }
0x2b: {  	s6 =	sld [smem:$0x3FB4]  }
0x2c: {  	s7 =	sld [smem:$0x3FB5]  }
0x2d: {  	s3 =	simm.s32 $0x108;
	s8 =	sld [smem:$0x3FB6]  }
0x2e: {  	s3 =	simm.s32 @!p0 $0x1082;
	s9 =	sld [smem:$0x3FB7]  }
0x2f: {  	lr =	sadd.s32 s0, s3;
	s0 =	sld [smem:$0x3FAE]  }
0x30: {  	s3 =	sld [smem:$0x3FB1]  }
0x31: {  	[smem:$0x3FBA] =	sst s10  }
0x32: {  	s10 =	sld [smem:$0x3FB8];
	_ =	sdelay $0x3  }
0x33: {  	p0 =	seq.s32 s10, $0x1;
	s10 =	sld [smem:$0x3FBA];
	_ =	sdelay $0x3  }
0x34: {  	[smem:$0x3FBA] =	sst s10  }
0x35: {  	s10 =	sld [smem:$0x3FB9];
	_ =	sdelay $0x3  }
0x36: {  	p1 =	seq.s32 s10, $0x1;
	s10 =	sld [smem:$0x3FBA];
	_ =	sdelay $0x3  }
0x37: {  	[smem:$0x3FBA] =	sst s10  }
0x38: {  	s10 =	sld [smem:$0x3FBB]  }
0x39: {  	_ = 	snop;
	(pc) =	sbr.ind lr, $3  }
0x3a: {  	_ = 	snop  }
0x3b: {  	_ = 	snop  }
0x3c: {  	p2 =	seq.s32 s10, $0x1;
	s10 =	sld [smem:$0x3FBA]  }
0x3d: {  	_ =	shalt  }
0x3e: {  	_ =	shalt  }
0x3f: {  	_ =	shalt  }
0x40: {  	_ =	shalt  }
0x41: {  	_ =	shalt  }
0x42: {  	_ =	shalt  }
0x43: {  	_ =	shalt  }
0x44: {  	_ =	shalt  }
0x45: {  	_ =	shalt  }
0x46: {  	_ =	shalt  }
0x47: {  	_ =	shalt  }
0x48: {  	_ =	shalt  }
0x49: {  	_ =	shalt  }
0x4a: {  	_ =	shalt  }
0x4b: {  	_ =	shalt  }
0x4c: {  	_ =	shalt  }
0x4d: {  	_ =	shalt  }
0x4e: {  	_ =	shalt  }
0x4f: {  	_ =	shalt  }
0x50: {  	_ =	shalt  }
0x51: {  	_ =	shalt  }
0x52: {  	_ =	shalt  }
0x53: {  	_ =	shalt  }
0x54: {  	_ =	shalt  }
0x55: {  	_ =	shalt  }
0x56: {  	_ =	shalt  }
0x57: {  	_ =	shalt  }
0x58: {  	_ =	shalt  }
0x59: {  	_ =	shalt  }
0x5a: {  	_ =	shalt  }
0x5b: {  	_ =	shalt  }
0x5c: {  	_ =	shalt  }
0x5d: {  	_ =	shalt  }
0x5e: {  	_ =	shalt  }
0x5f: {  	_ =	shalt  }
0x60: {  	_ =	shalt  }
0x61: {  	_ =	shalt  }
0x62: {  	_ =	shalt  }
0x63: {  	_ =	shalt  }
0x64: {  	_ =	shalt  }
0x65: {  	_ =	shalt  }
0x66: {  	_ =	shalt  }
0x67: {  	_ =	shalt  }
0x68: {  	_ =	shalt  }
0x69: {  	_ =	shalt  }
0x6a: {  	_ =	shalt  }
0x6b: {  	_ =	shalt  }
0x6c: {  	_ =	shalt  }
0x6d: {  	_ =	shalt  }
0x6e: {  	_ =	shalt  }
0x6f: {  	_ =	shalt  }
0x70: {  	_ =	shalt  }
0x71: {  	_ =	shalt  }
0x72: {  	_ =	shalt  }
0x73: {  	_ =	shalt  }
0x74: {  	_ =	shalt  }
0x75: {  	_ =	shalt  }
0x76: {  	_ =	shalt  }
0x77: {  	_ =	shalt  }
0x78: {  	_ =	shalt  }
0x79: {  	_ =	shalt  }
0x7a: {  	_ =	shalt  }
0x7b: {  	_ =	shalt  }
0x7c: {  	_ =	shalt  }
0x7d: {  	_ =	shalt  }
0x7e: {  	_ =	shalt  }
0x7f: {  	_ =	shalt  }
0x80: {  	_ =	shalt  }
0x81: {  	_ =	shalt  }
0x82: {  	_ =	shalt  }
0x83: {  	_ =	shalt  }
0x84: {  	_ =	shalt  }
0x85: {  	_ =	shalt  }
0x86: {  	_ =	shalt  }
0x87: {  	_ =	shalt  }
.Lfunc_end0:
.L_simem_size_0:
called_computation.1_lowered:
.L_overlay_start_0:
0x88: {  	s2 =	sld [smem:$0x3FD9]  }
0x89: {  	s3 =	sld [smem:$0x3FFE];
	_ =	sdelay $0x1  }
0x8a: {  	s1 =	srdreg.scid  }
0x8b: {  	s0 =	sand.u32 $0x1, s1  }
0x8c: {  	s17 =	sshll.u32 s0, $0xA;
	s2 =	sadd.s32 s3, s2  }
0x8d: {  	s2 =	sadd.s32 s2, s17  }
0x8e: {  	[smem:$0x3FC6] =	sst s2  }
0x8f: {  	_ = 	snop  }
0x90: {  	s2 =	sld [smem:$0x3FD0];
	(tm) =	ssettm $0x1  }
0x91: {  	s18 =	sld [smem:$0x3FFB];
	_ =	sdelay $0x3  }
0x92: {  	_ =	strace s18  }
0x93: {  	s3 =	sld [smem:$0x3FFC];
	_ =	sdelay $0x3  }
0x94: {  	_ =	strace s3  }
0x95: {  	s3 =	sld [smem:$0x3FFD];
	_ =	sdelay $0x3  }
0x96: {  	_ =	strace s3  }
0x97: {  	_ =	strace $0x8FFFFFFF  }
0x98: {  	s19 =	sld [smem:$0x3FDB];
	_ =	sdelay $0x1  }
0x99: {  	s4 =	simm.s32 $_scs_section_size  }
0x9a: {  	s5 =	simm.s32 $_size__tile_overlayer_lowered;
	s6 =	simm.s32 $_tile_overlayer_lowered  }
0x9b: {  	s22 =	simm.s32 $0x1BFF;
	s21 =	sshll.u32 s6, $0x1;
	s3 =	sadd.s32 s4, s19  }
0x9c: {  	s7 =	simm.s32 $0x0;
	s20 =	sshll.u32 s5, $0x1;
	s5 =	sadd.s32 s21, s3  }
0x9d: {  	[timem:s7], [sflag:s22] =	dma.local [hbm:s5], s20  }
0x9e: {  	_ =	swait.ge [sflag:s22], s20  }
0x9f: {  	s4 =	ssub.s32 $0x0, s20;
	[sflag:s22] =	ssyncset.done $0x0  }
0xa0: {  	[sflag:s22] =	ssyncadd.s32 s4;
	_ =	sdelay $0x1  }
0xa1: {  	s23 =	simm.s32 $0x1B8B  }
0xa2: {  	_ =	swait.ge [sflag:s23], $0x1  }
0xa3: {  	[sflag:s23] =	ssyncset.done $0x0  }
0xa4: {  	s25 =	simm.s32 $0x1B8E;
	s24 =	sld [smem:$0x3FFE];
	[sflag:s23] =	ssyncadd.s32 $0xFFFFFFFF  }
0xa5: {  	s26 =	simm.s32 $execute0_lowered;
	[smem:$0x3FD2] =	sst s25  }
0xa6: {  	s5 =	sshll.u32 s26, $0x1;
	_ =	strace $0x80000046;
	[dreg:$0x1] =	wrdreg $0xFFFFFFFF  }
0xa7: {  	s28 =	simm.s32 $_size_execute0_lowered;
	s3 =	sadd.s32 s3, s5;
	[dreg:$0x0] =	wrdreg $0x0  }
0xa8: {  	s5 =	sshll.u32 s28, $0x1;
	[dreg:$0x2] =	wrdreg s3  }
0xa9: {  	[dreg:$0x3] =	wrdreg s5  }
0xaa: {  	[dreg:$0x4] =	wrdreg $0xC0  }
0xab: {  	_ =	task [dreg:s7], $0x5FFFF  }
0xac: {  	[dreg:$0x1] =	wrdreg $0xFFFFFFFF  }
0xad: {  	[dreg:$0x0] =	wrdreg $0x60  }
0xae: {  	[dreg:$0x2] =	wrdreg s24  }
0xaf: {  	[dreg:$0x3] =	wrdreg s2  }
0xb0: {  	[dreg:$0x4] =	wrdreg $0x9  }
0xb1: {  	_ =	task.clear_ibuf [dreg:s7], $0x5FFFF;
	_ =	strace $0x90000046  }
0xb2: {  	s29 =	simm.s32 $0x9;
	_ =	strace $0x80000048  }
0xb3: {  	_ =	swait.ge [sflag:s29], $0x1  }
0xb4: {  	[sflag:s29] =	ssyncadd.s32 $0xFFFFFFFF  }
0xb5: {  	_ =	strace $0x90000048  }
0xb6: {  	_ =	sfence  }
0xb7: {  	s30 =	sld [smem:$0x0];
	_ =	sdelay $0x2  }
0xb8: {  	s31 =	sshll.u32 s1, $0xD;
	s1 =	sshrl.u32 s1, $0x2  }
0xb9: {  	s3 =	sand.u32 $0x4000, s31;
	s1 =	sadd.s32 s1, s30  }
0xba: {  	s0 =	sor.u32 s3, s0;
	s1 =	sshll.u32 s1, $0x11  }
0xbb: {  	s0 =	sor.u32 s1, s0  }
0xbc: {  	s0 =	sadd.s32 $0x8F2B, s0  }
0xbd: {  	[sflag:s0] =	ssyncadd.remote.s32 $0x1  }
0xbe: {  	_ =	sfence.sel $0xFFFF  }
0xbf: {  	[dreg:$0x0] =	wrdreg $0xFFFFFFFF;
	(pc) =	sbr.abs _section_cstart, $3  }
0xc0: {  	[dreg:$0x1] =	wrdreg $0xFFFFFFFF  }
0xc1: {  	_ =	task.clear_ibuf [dreg:s7], $0x2FFFF;
	_ =	strace $0x9FFFFFFF  }
0xc2: {  	(tm) =	ssettm $0x7FFFFFFF  }
0xc3: {  	_ =	shalt  }
tec
execute0_lowered:
.L_overlay_start_1:
0x0: {  	(tag) =	ssettag $0x1  }
0x1: {  	s0 =	rddreg [dreg:$0x0]  }
0x2: {  	s8 =	rddreg [dreg:$0x1];
	s3 =	srdreg.scid;
	s2 =	simm.s32 $0x0  }
0x3: {  	s1 =	stileid.u32;
	s13 =	simm.s32 $0x9;
	s14 =	simm.s32 $0x100  }
0x4: {  	s15 =	simm.s32 $0x6400;
	s16 =	simm.s32 $0xA400;
	s17 =	simm.s32 $0xE400  }
0x5: {  	s18 =	simm.s32 $0x300;
	s19 =	simm.s32 $0x12400;
	s20 =	simm.s32 $0x1  }
0x6: {  	s21 =	simm.s32 $0x5;
	s22 =	simm.s32 $0x2;
	s23 =	simm.s32 $0x6  }
0x7: {  	s24 =	simm.s32 $0x3;
	s25 =	simm.s32 $0x7;
	s28 =	simm.s32 $0x8  }
0x8: {  	s29 =	simm.s32 $0x0;
	s9 =	sand.u32 $0x1, s3;
	[smem:$0x7FF] =	sst s2  }
0x9: {  	s26 =	sshll.u32 s1, $0xA;
	s3 =	sadd.s32 $0x19800, s0;
	s11 =	sshll.u32 s1, $0xD  }
0xa: {  	s4 =	sshll.u32 s9, $0x9;
	_ =	strace $0x80000047;
	s6 =	ssub.s32 $0x2, s9  }
0xb: {  	s11 =	sadd.s32 s11, s8;
	s12 =	sshll.u32 s9, $0xC;
	s4 =	sor.u32 s4, s26  }
0xc: {  	s30 =	sshrl.u32 s6, $0x1;
	s26 =	simm.s32 $0x4;
	s5 =	sshrl.u32 s4, $0x3  }
0xd: {  	s7 =	sshll.u32 s4, $0x3;
	s10 =	ssub.s32 s6, s30;
	s0 =	sadd.s32 s5, s0  }
0xe: {  	s31 =	sadd.s32 s7, s8;
	s9 =	smax.u32 s10, $0x1;
	s10 =	sadd.s32 s12, s11  }
0xf: {  	s11 =	simm.s32 $0x200;
	s4 =	sadd.s32 $0x800, s0;
	s6 =	sadd.s32 $0x600800, s31  }
0x10: {  	s5 =	sadd.s32 $0x600000, s31;
	s7 =	sadd.s32 $0x620000, s31;
	s8 =	sadd.s32 $0x620800, s31  }
.LBB2_1:
0x11: {  	s0 =	simm.s32 $0x4000  }
0x12: {  	[tilespmem:s2], [sflag:$0x9] =	stream.strided.gather [hbm4b:s4+s11], $0x6400, s0, s11, $0x38;
	[tilespmem:$0x16400] =	vst v63  }
0x13: {  	_ =	swait.ge [sflag:s13], $0x6400  }
0x14: {  	[sflag:s13] =	ssyncset.done $0x0  }
0x15: {  	[sflag:s13] =	ssyncadd.s32 $0xFFFF9C00  }
0x16: {  	[tilespmem:s15], [sflag:$0x1] =	stream.indirect.gather [hbm4b:s3+s14], $0x40, s2, s14, $0xb8;
	[tilespmem:$0x16400] =	vst v63  }
0x17: {  	_ = 	snop  }
0x18: {  	[tilespmem:s16], [sflag:$0x2] =	stream.indirect.gather [hbm4b:s3+s14], $0x40, s14, s14, $0xb8;
	[tilespmem:$0x16400] =	vst v63  }
0x19: {  	_ = 	snop  }
0x1a: {  	[tilespmem:s17], [sflag:$0x3] =	stream.indirect.gather [hbm4b:s3+s14], $0x40, s11, s14, $0xb8;
	[tilespmem:$0x16400] =	vst v63  }
0x1b: {  	_ = 	snop  }
0x1c: {  	[tilespmem:s19], [sflag:$0x4] =	stream.indirect.gather [hbm4b:s3+s14], $0x40, s18, s14, $0xb8;
	[tilespmem:$0x16400] =	vst v63  }
0x1d: {  	_ =	swait.ge [sflag:s20], $0x4000  }
0x1e: {  	[sflag:s20] =	ssyncset.done $0x0  }
0x1f: {  	s12 =	sadd.s32 $0x0, s10;
	[sflag:s20] =	ssyncadd.s32 $0xFFFFC000  }
0x20: {  	[hbm4b:s12+s2] =	stream.linear.scatter [tilespmem:s15], [sflag:$0x5], $0x4000, $0x38;
	[tilespmem:$0x16400] =	vst v63  }
0x21: {  	_ =	swait.ge [sflag:s21], $0x4000  }
0x22: {  	[sflag:s21] =	ssyncset.done $0x0  }
0x23: {  	s30 =	simm.s32 $0x400;
	[sflag:s21] =	ssyncadd.s32 $0xFFFFC000  }
0x24: {  	[tilespmem:s15], [sflag:$0x1] =	stream.indirect.gather [hbm4b:s3+s14], $0x40, s30, s14, $0xb8;
	[tilespmem:$0x16400] =	vst v63  }
0x25: {  	_ =	swait.ge [sflag:s22], $0x4000  }
0x26: {  	[sflag:s22] =	ssyncset.done $0x0  }
0x27: {  	s30 =	sadd.s32 $0x800, s12;
	[sflag:s22] =	ssyncadd.s32 $0xFFFFC000  }
0x28: {  	[hbm4b:s30+s2] =	stream.linear.scatter [tilespmem:s16], [sflag:$0x6], $0x4000, $0x38;
	[tilespmem:$0x16400] =	vst v63  }
0x29: {  	_ =	swait.ge [sflag:s23], $0x4000  }
0x2a: {  	[sflag:s23] =	ssyncset.done $0x0  }
0x2b: {  	s30 =	simm.s32 $0x500;
	[sflag:s23] =	ssyncadd.s32 $0xFFFFC000  }
0x2c: {  	[tilespmem:s16], [sflag:$0x2] =	stream.indirect.gather [hbm4b:s3+s14], $0x40, s30, s14, $0xb8;
	[tilespmem:$0x16400] =	vst v63  }
0x2d: {  	_ =	swait.ge [sflag:s24], $0x4000  }
0x2e: {  	[sflag:s24] =	ssyncset.done $0x0  }
0x2f: {  	s30 =	sadd.s32 $0x20000, s12;
	[sflag:s24] =	ssyncadd.s32 $0xFFFFC000  }
0x30: {  	[hbm4b:s30+s2] =	stream.linear.scatter [tilespmem:s17], [sflag:$0x7], $0x4000, $0x38;
	[tilespmem:$0x16400] =	vst v63  }
0x31: {  	_ =	swait.ge [sflag:s25], $0x4000  }
0x32: {  	[sflag:s25] =	ssyncset.done $0x0  }
0x33: {  	s30 =	simm.s32 $0x600;
	[sflag:s25] =	ssyncadd.s32 $0xFFFFC000  }
0x34: {  	[tilespmem:s17], [sflag:$0x3] =	stream.indirect.gather [hbm4b:s3+s14], $0x40, s30, s14, $0xb8;
	[tilespmem:$0x16400] =	vst v63  }
0x35: {  	_ =	swait.ge [sflag:s26], $0x4000  }
0x36: {  	[sflag:s26] =	ssyncset.done $0x0  }
0x37: {  	s0 =	sadd.s32 $0x20800, s12;
	[sflag:s26] =	ssyncadd.s32 $0xFFFFC000  }
0x38: {  	[hbm4b:s0+s2] =	stream.linear.scatter [tilespmem:s19], [sflag:$0x8], $0x4000, $0x38;
	[tilespmem:$0x16400] =	vst v63  }
0x39: {  	_ =	swait.ge [sflag:s28], $0x4000  }
0x3a: {  	s31 =	simm.s32 $0x40000;
	[sflag:s28] =	ssyncset.done $0x0  }
0x3b: {  	s30 =	simm.s32 $0x700;
	s0 =	simm.s32 $0xB00;
	[sflag:s28] =	ssyncadd.s32 $0xFFFFC000  }
.LBB2_2:
0x3c: {  	[tilespmem:s19], [sflag:$0x4] =	stream.indirect.gather [hbm4b:s3+s14], $0x40, s30, s14, $0xb8;
	[tilespmem:$0x16400] =	vst v63  }
0x3d: {  	s1 =	smov.u32 s31;
	s30 =	smov.u32 s0  }
0x3e: {  	p0 =	sne.s32 s31, $0x5C0000;
	s31 =	sadd.s32 $0x40000, s31;
	_ =	swait.ge [sflag:s20], $0x4000  }
0x3f: {  	[sflag:s20] =	ssyncset.done $0x0  }
0x40: {  	s1 =	sadd.s32 s1, s10;
	[sflag:s20] =	ssyncadd.s32 $0xFFFFC000  }
0x41: {  	[hbm4b:s1+s2] =	stream.linear.scatter [tilespmem:s15], [sflag:$0x5], $0x4000, $0x38;
	[tilespmem:$0x16400] =	vst v63  }
0x42: {  	_ =	swait.ge [sflag:s21], $0x4000  }
0x43: {  	[sflag:s21] =	ssyncset.done $0x0  }
0x44: {  	s12 =	sadd.s32 $0xFFFFFD00, s0;
	[sflag:s21] =	ssyncadd.s32 $0xFFFFC000  }
0x45: {  	[tilespmem:s15], [sflag:$0x1] =	stream.indirect.gather [hbm4b:s3+s14], $0x40, s12, s14, $0xb8;
	[tilespmem:$0x16400] =	vst v63  }
0x46: {  	_ =	swait.ge [sflag:s22], $0x4000  }
0x47: {  	[sflag:s22] =	ssyncset.done $0x0  }
0x48: {  	s12 =	sadd.s32 $0x800, s1;
	[sflag:s22] =	ssyncadd.s32 $0xFFFFC000  }
0x49: {  	[hbm4b:s12+s2] =	stream.linear.scatter [tilespmem:s16], [sflag:$0x6], $0x4000, $0x38;
	[tilespmem:$0x16400] =	vst v63  }
0x4a: {  	_ =	swait.ge [sflag:s23], $0x4000  }
0x4b: {  	[sflag:s23] =	ssyncset.done $0x0  }
0x4c: {  	s12 =	sadd.s32 $0xFFFFFE00, s0;
	[sflag:s23] =	ssyncadd.s32 $0xFFFFC000  }
0x4d: {  	[tilespmem:s16], [sflag:$0x2] =	stream.indirect.gather [hbm4b:s3+s14], $0x40, s12, s14, $0xb8;
	[tilespmem:$0x16400] =	vst v63  }
0x4e: {  	_ =	swait.ge [sflag:s24], $0x4000  }
0x4f: {  	[sflag:s24] =	ssyncset.done $0x0  }
0x50: {  	s12 =	sadd.s32 $0x20000, s1;
	[sflag:s24] =	ssyncadd.s32 $0xFFFFC000  }
0x51: {  	[hbm4b:s12+s2] =	stream.linear.scatter [tilespmem:s17], [sflag:$0x7], $0x4000, $0x38;
	[tilespmem:$0x16400] =	vst v63  }
0x52: {  	_ =	swait.ge [sflag:s25], $0x4000  }
0x53: {  	[sflag:s25] =	ssyncset.done $0x0  }
0x54: {  	s12 =	sadd.s32 $0xFFFFFF00, s0;
	[sflag:s25] =	ssyncadd.s32 $0xFFFFC000  }
0x55: {  	[tilespmem:s17], [sflag:$0x3] =	stream.indirect.gather [hbm4b:s3+s14], $0x40, s12, s14, $0xb8;
	[tilespmem:$0x16400] =	vst v63  }
0x56: {  	_ =	swait.ge [sflag:s26], $0x4000  }
0x57: {  	[sflag:s26] =	ssyncset.done $0x0  }
.Ltmp0:
0x58: {  	s1 =	sadd.s32 $0x20800, s1;
	[sflag:s26] =	ssyncadd.s32 $0xFFFFC000;
	(pc) =	sbr.rel @p0 .LBB2_2-.Ltmp0, $4  }
0x59: {  	[hbm4b:s1+s2] =	stream.linear.scatter [tilespmem:s19], [sflag:$0x8], $0x4000, $0x38;
	[tilespmem:$0x16400] =	vst v63  }
0x5a: {  	_ =	swait.ge [sflag:s28], $0x4000  }
0x5b: {  	[sflag:s28] =	ssyncset.done $0x0  }
0x5c: {  	s0 =	sadd.s32 $0x400, s0;
	[sflag:s28] =	ssyncadd.s32 $0xFFFFC000  }
0x5d: {  	[tilespmem:s19], [sflag:$0x4] =	stream.indirect.gather [hbm4b:s3+s14], $0x40, s30, s14, $0xb8;
	[tilespmem:$0x16400] =	vst v63  }
0x5e: {  	_ =	swait.ge [sflag:s20], $0x4000  }
0x5f: {  	[sflag:s20] =	ssyncset.done $0x0  }
0x60: {  	[sflag:s20] =	ssyncadd.s32 $0xFFFFC000  }
0x61: {  	[hbm4b:s5+s2] =	stream.linear.scatter [tilespmem:s15], [sflag:$0x5], $0x4000, $0x38;
	[tilespmem:$0x16400] =	vst v63  }
0x62: {  	_ =	swait.ge [sflag:s22], $0x4000  }
0x63: {  	[sflag:s22] =	ssyncset.done $0x0  }
0x64: {  	[sflag:s22] =	ssyncadd.s32 $0xFFFFC000  }
0x65: {  	[hbm4b:s6+s2] =	stream.linear.scatter [tilespmem:s16], [sflag:$0x6], $0x4000, $0x38;
	[tilespmem:$0x16400] =	vst v63  }
0x66: {  	_ =	swait.ge [sflag:s24], $0x4000  }
0x67: {  	[sflag:s24] =	ssyncset.done $0x0  }
0x68: {  	[sflag:s24] =	ssyncadd.s32 $0xFFFFC000  }
0x69: {  	[hbm4b:s7+s2] =	stream.linear.scatter [tilespmem:s17], [sflag:$0x7], $0x4000, $0x38;
	[tilespmem:$0x16400] =	vst v63  }
0x6a: {  	_ =	swait.ge [sflag:s26], $0x4000  }
0x6b: {  	[sflag:s26] =	ssyncset.done $0x0  }
0x6c: {  	[sflag:s26] =	ssyncadd.s32 $0xFFFFC000  }
0x6d: {  	[hbm4b:s8+s2] =	stream.linear.scatter [tilespmem:s19], [sflag:$0x8], $0x4000, $0x38;
	[tilespmem:$0x16400] =	vst v63  }
0x6e: {  	_ =	swait.ge [sflag:s21], $0x4000  }
0x6f: {  	[sflag:s21] =	ssyncset.done $0x0  }
0x70: {  	[sflag:s21] =	ssyncadd.s32 $0xFFFFC000  }
0x71: {  	_ =	swait.ge [sflag:s23], $0x4000  }
0x72: {  	[sflag:s23] =	ssyncset.done $0x0  }
0x73: {  	s29 =	sadd.s32 $0x1, s29;
	[sflag:s23] =	ssyncadd.s32 $0xFFFFC000  }
0x74: {  	p0 =	sne.s32 s29, s9;
	_ =	swait.ge [sflag:s25], $0x4000  }
.Ltmp1:
0x75: {  	[sflag:s25] =	ssyncset.done $0x0;
	(pc) =	sbr.rel @p0 .LBB2_1-.Ltmp1, $4  }
0x76: {  	[sflag:s25] =	ssyncadd.s32 $0xFFFFC000  }
0x77: {  	_ =	swait.ge [sflag:s28], $0x4000  }
0x78: {  	[sflag:s28] =	ssyncset.done $0x0  }
0x79: {  	[sflag:s28] =	ssyncadd.s32 $0xFFFFC000  }
0x7a: {  	_ =	sfence.sel $0x180000  }
0x7b: {  	[bflag:$0x0] =	sbarrier.arrive $0xFFFF  }
0x7c: {  	_ =	strace $0x90000047  }
0x7d: {  	s0 =	stileid.u32;
	[bflag:$0x2] =	sbarrier.arrive $0xFFFF  }
0x7e: {  	p0 =	sne.s32 s0, $0x0;
	s0 =	rddreg [dreg:$0x2]  }
0x7f: {  	s0 =	sadd.s32 @!p0 $0x100000, s0  }
0x80: {  	[sflag:s0] =	ssyncadd.tile.s32 @!p0 $0x1;
	_ =	shalt  }
.Lfunc_end2:
_tile_overlayer_lowered:
.L_overlay_start_2:
0x81: {  	(tag) =	ssettag $0x2  }
0x82: {  	s0 =	rddreg [dreg:$0x0];
	s2 =	stileid.u32  }
0x83: {  	s1 =	rddreg [dreg:$0x1];
	p0 =	sne.s32 s2, $0x0  }
0x84: {  	s3 =	rddreg [dreg:$0x2];
	[bflag:$0x3] =	sbarrier.arrive $0xFFFF;
	s2 =	simm.s32 @!p0 $0x1C09  }
0x85: {  	[timem:s3], [sflag:s2] =	dma.local @!p0 [hbm:s0], s1  }
0x86: {  	s0 =	simm.s32 @!p0 $0x9  }
0x87: {  	_ =	swait.ge @!p0 [sflag:s0], s1  }
0x88: {  	s1 =	ssub.s32 @!p0 $0x0, s1;
	[sflag:s0] =	ssyncset.done @!p0 $0x0  }
0x89: {  	[sflag:s0] =	ssyncadd.s32 @!p0 s1  }
0x8a: {  	[bflag:$0x3] =	sbarrier.arrive $0xFFFF  }
0x8b: {  	_ =	shalt  }

// kernel: sparse-core-data-format-call.cloned.1.call-start
scs
called_computation_lowered:
.L_overlay_start_0:
0x0: {  	s2 =	sld [smem:$0x3FD9]  }
0x1: {  	s3 =	sld [smem:$0x3FFE];
	_ =	sdelay $0x1  }
0x2: {  	s1 =	srdreg.scid  }
0x3: {  	s0 =	sand.u32 $0x1, s1  }
0x4: {  	s18 =	sshll.u32 s0, $0xA;
	s2 =	sadd.s32 s3, s2  }
0x5: {  	s2 =	sadd.s32 s2, s18  }
0x6: {  	[smem:$0x3FC6] =	sst s2  }
0x7: {  	_ = 	snop  }
0x8: {  	s2 =	sld [smem:$0x3FD0];
	(tm) =	ssettm $0x1  }
0x9: {  	s19 =	sld [smem:$0x3FFB];
	_ =	sdelay $0x3  }
0xa: {  	_ =	strace s19  }
0xb: {  	s3 =	sld [smem:$0x3FFC];
	_ =	sdelay $0x3  }
0xc: {  	_ =	strace s3  }
0xd: {  	s3 =	sld [smem:$0x3FFD];
	_ =	sdelay $0x3  }
0xe: {  	_ =	strace s3  }
0xf: {  	_ =	strace $0x8FFFFFFF  }
0x10: {  	s20 =	sld [smem:$0x3FDB];
	_ =	sdelay $0x1  }
0x11: {  	s4 =	simm.s32 $_scs_section_size  }
0x12: {  	s5 =	simm.s32 $_size__tile_overlayer_lowered;
	s6 =	simm.s32 $_tile_overlayer_lowered  }
0x13: {  	s23 =	simm.s32 $0x1BFF;
	s22 =	sshll.u32 s6, $0x1;
	s3 =	sadd.s32 s4, s20  }
0x14: {  	s7 =	simm.s32 $0x0;
	s21 =	sshll.u32 s5, $0x1;
	s5 =	sadd.s32 s22, s3  }
0x15: {  	[timem:s7], [sflag:s23] =	dma.local [hbm:s5], s21  }
0x16: {  	_ =	swait.ge [sflag:s23], s21  }
0x17: {  	s4 =	ssub.s32 $0x0, s21;
	[sflag:s23] =	ssyncset.done $0x0  }
0x18: {  	[sflag:s23] =	ssyncadd.s32 s4;
	_ =	sdelay $0x1  }
0x19: {  	s24 =	simm.s32 $0x1B8B  }
0x1a: {  	_ =	swait.ge [sflag:s24], $0x1  }
0x1b: {  	[sflag:s24] =	ssyncset.done $0x0  }
0x1c: {  	s26 =	simm.s32 $0x1B8E;
	s25 =	sld [smem:$0x3FFE];
	[sflag:s24] =	ssyncadd.s32 $0xFFFFFFFF  }
0x1d: {  	s27 =	simm.s32 $execute0_lowered;
	[smem:$0x3FD2] =	sst s26  }
0x1e: {  	s5 =	sshll.u32 s27, $0x1;
	_ =	strace $0x80000049;
	[dreg:$0x1] =	wrdreg $0xFFFFFFFF  }
0x1f: {  	s28 =	simm.s32 $_size_execute0_lowered;
	s3 =	sadd.s32 s3, s5;
	[dreg:$0x0] =	wrdreg $0x0  }
0x20: {  	s5 =	sshll.u32 s28, $0x1;
	[dreg:$0x2] =	wrdreg s3  }
0x21: {  	[dreg:$0x3] =	wrdreg s5  }
0x22: {  	[dreg:$0x4] =	wrdreg $0xC0  }
0x23: {  	_ =	task [dreg:s7], $0x5FFFF  }
0x24: {  	[dreg:$0x1] =	wrdreg $0xFFFFFFFF  }
0x25: {  	[dreg:$0x0] =	wrdreg $0x60  }
0x26: {  	[dreg:$0x2] =	wrdreg s25  }
0x27: {  	[dreg:$0x3] =	wrdreg s2  }
0x28: {  	[dreg:$0x4] =	wrdreg $0x9  }
0x29: {  	_ =	task.clear_ibuf [dreg:s7], $0x5FFFF;
	_ =	strace $0x90000049  }
0x2a: {  	s29 =	simm.s32 $0x9;
	_ =	strace $0x8000004B  }
0x2b: {  	_ =	swait.ge [sflag:s29], $0x1  }
0x2c: {  	[sflag:s29] =	ssyncadd.s32 $0xFFFFFFFF  }
0x2d: {  	_ =	strace $0x9000004B  }
0x2e: {  	_ =	sfence  }
0x2f: {  	s30 =	sld [smem:$0x0];
	_ =	sdelay $0x2  }
0x30: {  	s31 =	sshll.u32 s1, $0xD;
	s1 =	sshrl.u32 s1, $0x2  }
0x31: {  	s3 =	sand.u32 $0x4000, s31;
	s1 =	sadd.s32 s1, s30  }
0x32: {  	s0 =	sor.u32 s3, s0;
	s1 =	sshll.u32 s1, $0x11  }
0x33: {  	s0 =	sor.u32 s1, s0  }
0x34: {  	s0 =	sadd.s32 $0x8F2B, s0  }
0x35: {  	[sflag:s0] =	ssyncadd.remote.s32 $0x1  }
0x36: {  	_ =	sfence.sel $0xFFFF  }
0x37: {  	[dreg:$0x0] =	wrdreg $0xFFFFFFFF;
	(pc) =	sbr.abs _section_cstart, $3  }
0x38: {  	[dreg:$0x1] =	wrdreg $0xFFFFFFFF  }
0x39: {  	_ =	task.clear_ibuf [dreg:s7], $0x2FFFF;
	_ =	strace $0x9FFFFFFF  }
0x3a: {  	(tm) =	ssettm $0x7FFFFFFF  }
0x3b: {  	_ =	shalt  }
tec
execute0_lowered:
.L_overlay_start_1:
0x0: {  	(tag) =	ssettag $0x1  }
0x1: {  	s0 =	srdreg.scid  }
0x2: {  	s1 =	sshll.u32 s0, $0x4  }
0x3: {  	s0 =	stileid.u32;
	s1 =	sand.u32 $0x10, s1  }
0x4: {  	s7 =	rddreg [dreg:$0x0];
	s1 =	sor.u32 s0, s1  }
0x5: {  	s4 =	simm.s32 $0x1;
	s8 =	simm.s32 $0x2;
	s2 =	sshll.u32 s1, $0x7  }
0x6: {  	s13 =	simm.s32 $0x0;
	s9 =	simm.s32 $0x20000;
	s1 =	ssub.s32 $0x4000, s2  }
0x7: {  	s14 =	simm.s32 $0x0;
	s11 =	simm.s32 $0x0;
	s3 =	sand.u32 $0xF80, s1  }
0x8: {  	s12 =	simm.s32 $0x0;
	s5 =	sshrl.u32 s1, $0xC;
	p0 =	sne.s32 s3, $0x0  }
.Ltmp0:
0x9: {  	s1 =	rddreg [dreg:$0x2];
	s4 =	simm.s32 @!p0 $0x0;
	(pc) =	sbr.rel .LBB1_1-.Ltmp0, $4  }
0xa: {  	s6 =	sadd.s32 $0x800, s7;
	s3 =	rddreg [dreg:$0x1];
	s5 =	sadd.s32 s4, s5  }
0xb: {  	_ =	strace $0x8000004A;
	s4 =	simm.s32 $0x1;
	s5 =	smul.u32 $0x19, s5  }
0xc: {  	s7 =	sadd.s32 $0x40800, s7;
	s10 =	smov.u32 s2;
	[sflag:s4] =	ssyncpa.u1 $0x0  }
0xd: {  	p0 =	por $0x0, $0x0;
	[sflag:s8] =	ssyncpa.u1 $0x0;
	s8 =	sadd.s32 $0x1, s5  }
.LBB1_7:
0xe: {  	s15 =	sadd.s32 $0x1000, s10  }
0xf: {  	s13 =	sadd.s32 $0x2, s11;
	s17 =	smov.u32 s11;
	p2 =	sgt.s32 s15, $0x3FFF  }
0x10: {  	s17 =	smov.u32 @p2 s13  }
0x11: {  	s15 =	smov.u32 @p2 s2;
	p2 =	sgt.s32 s17, $0x31  }
0x12: {  	s17 =	simm.s32 @p2 $0x0;
	p2 =	sne.s32 s12, s8  }
.Ltmp1:
0x13: {  	p1 =	slt.u32 s12, $0x2;
	(pc) =	sbr.rel @!p2 .LBB1_8-.Ltmp1, $4  }
0x14: {  	s16 =	simm.s32 @!p1 $0x2  }
0x15: {  	s14 =	smov.u32 s11;
	p0 =	por !p0, !p0;
	_ =	swait.ge @!p1 [sflag:s16], $0x4000  }
0x16: {  	s13 =	smov.u32 s10;
	[sflag:s16] =	ssyncset.done @!p1 $0x0;
	s10 =	smov.u32 s15  }
0x17: {  	s12 =	sadd.s32 $0x1, s12;
	[sflag:s16] =	ssyncadd.s32 @!p1 $0xFFFFC000;
	s11 =	smov.u32 s17  }
.LBB1_1:
0x18: {  	p1 =	sge.u32 s12, s5  }
0x19: {  	s15 =	sxor.u32 @!p1 $0xFFFFFFFF, s12;
	s16 =	sshll.u32 @!p1 s11, $0x12  }
0x1a: {  	s17 =	sshll.u32 @!p1 s10, $0x4;
	s19 =	simm.s32 @!p1 $0x40;
	s20 =	simm.s32 @!p1 $0x80  }
0x1b: {  	s15 =	sshll.u32 @!p1 s15, $0xE;
	s17 =	sand.u32 @!p1 $0x3FFF0, s17;
	s18 =	sadd.s32 @!p1 s6, s16  }
0x1c: {  	s16 =	sadd.s32 @!p1 s16, s7;
	s15 =	sand.u32 @!p1 $0x4000, s15;
	s18 =	sadd.s32 @!p1 s17, s18  }
0x1d: {  	[tilespmem:s15], [sflag:$0x1] =	stream.strided.gather @!p1 [hbm4b:s18+s19], $0x2000, s20, s19, $0x38;
	[tilespmem:$0x10100] =	vst v63  }
0x1e: {  	s31 =	sadd.s32 $0xFFFFFFFF, s12;
	s16 =	sadd.s32 @!p1 s17, s16;
	s15 =	sor.u32 @!p1 $0x2000, s15  }
0x1f: {  	[tilespmem:s15], [sflag:$0x1] =	stream.strided.gather @!p1 [hbm4b:s16+s19], $0x2000, s20, s19, $0x38;
	[tilespmem:$0x10100] =	vst v63  }
0x20: {  	p1 =	sge.u32 s31, s5  }
.Ltmp2:
0x21: {  	_ = 	snop;
	(pc) =	sbr.rel @p1 .LBB1_7-.Ltmp2, $1  }
0x22: {  	_ =	sdelay $0x3  }
0x23: {  	s15 =	simm.s32 $0x1;
	s17 =	sand.u32 $0x1, s12  }
0x24: {  	_ =	swait.ge [sflag:s4], $0x4000;
	s15 =	simm.s32 @!p0 $0x0;
	s17 =	smul.u32 $0x10200, s17  }
0x25: {  	p2 =	por $0x1, $0x1;
	[sflag:s4] =	ssyncset.done $0x0;
	s16 =	smul.u32 $0x10200, s15  }
0x26: {  	s18 =	sshll.u32 s15, $0x10;
	[sflag:s4] =	ssyncadd.s32 $0xFFFFC000;
	s30 =	sshrl.u32 s17, $0x2  }
0x27: {  	s31 =	sshrl.u32 s18, $0x2;
	s18 =	simm.s32 $0x0;
	s16 =	sshrl.u32 s16, $0x2  }
0x28: {  	s15 =	sor.u32 $0x8000, s30;
	s17 =	sadd.s32 $0x20, s31;
	s16 =	sor.u32 $0x8000, s16  }
.LBB1_3:
0x29: {  	s19 =	sshll.u32 s18, $0xD  }
0x2a: {  	s19 =	sand.u32 $0x3FFFE000, s19  }
0x2b: {  	s21 =	sadd.s32 s19, s17  }
0x2c: {  	s31 =	smul.u32 $0x8100, s18;
	v3 =	vld [tilespmem:s21+$0x10]  }
0x2d: {  	v1 =	vld [tilespmem:s21+$0xFFFFFFF0]  }
0x2e: {  	s18 =	sshra.s32 s31, $0x2;
	v0 =	vld [tilespmem:s21+$0x0]  }
0x2f: {  	s18 =	sadd.s32 s18, s16;
	v2 =	vld [tilespmem:s21+$0xFFFFFFE0]  }
0x30: {  	s19 =	sadd.s32 $0x0, s18  }
0x31: {  	p1 =	por p2, p2;
	s20 =	simm.s32 $0x4;
	s21 =	sadd.s32 $0x40, s21;
	[tilespmem:s19+$0x1830 ss:$0x81] =	vst.msk $0xffff, v3  }
.LBB1_4:
0x32: {  	v3 =	vld [tilespmem:s21+$0x10];
	p2 =	sne.s32 s20, $0x1FC;
	[tilespmem:s19+$0x810 ss:$0x81] =	vst.msk $0xffff, v1;
	s22 =	smov.u32 s20;
	s20 =	sadd.s32 $0x4, s20  }
.Ltmp3:
0x33: {  	v1 =	vld [tilespmem:s21+$0xFFFFFFF0];
	[tilespmem:s19+$0x1020 ss:$0x81] =	vst.msk $0xffff, v0;
	(pc) =	sbr.rel @p2 .LBB1_4-.Ltmp3, $4  }
0x34: {  	v0 =	vld [tilespmem:s21+$0x0];
	[tilespmem:s19+$0x0 ss:$0x81] =	vst.msk $0xffff, v2  }
0x35: {  	s19 =	sshra.s32 s22, $0x2;
	v2 =	vld [tilespmem:s21+$0xFFFFFFE0]  }
0x36: {  	s19 =	sadd.s32 s19, s18  }
0x37: {  	s21 =	sadd.s32 $0x40, s21;
	[tilespmem:s19+$0x1830 ss:$0x81] =	vst.msk $0xffff, v3  }
.Ltmp4:
0x38: {  	(pc) =	sbr.rel @p1 .LBB1_3-.Ltmp4, $4  }
0x39: {  	_ = 	snop  }
0x3a: {  	[tilespmem:s19+$0x810 ss:$0x81] =	vst.msk $0xffff, v1  }
0x3b: {  	[tilespmem:s19+$0x1020 ss:$0x81] =	vst.msk $0xffff, v0  }
0x3c: {  	s18 =	simm.s32 $0x1;
	p2 =	por $0x0, $0x0;
	[tilespmem:s19+$0x0 ss:$0x81] =	vst.msk $0xffff, v2  }
0x3d: {  	s16 =	sshll.u32 s13, $0x3;
	s17 =	sand.u32 $0x78, s13;
	s14 =	sshll.u32 s14, $0x11  }
.Ltmp5:
0x3e: {  	s30 =	sand.u32 $0x1F800, s13;
	s16 =	sand.u32 $0x3C00, s16;
	(pc) =	sbr.rel .LBB1_7-.Ltmp5, $4  }
0x3f: {  	s31 =	sand.u32 $0x7, s13;
	s14 =	sadd.s32 s3, s14;
	s16 =	sor.u32 s17, s16  }
0x40: {  	s13 =	sshll.u32 s31, $0x12;
	s14 =	sadd.s32 s30, s14;
	s16 =	sshrl.u32 s16, $0x3  }
0x41: {  	s13 =	sor.u32 $0x400, s13;
	s14 =	sadd.s32 s16, s14  }
0x42: {  	[hbm4b:s14+s13] =	stream.strided.scatter [tilespmem:s15], [sflag:$0x2], $0x4000, s9, s13, $0x20;
	[tilespmem:$0x10100] =	vst v63  }
.LBB1_8:
0x43: {  	_ =	sfence.sel $0x180000  }
0x44: {  	s2 =	simm.s32 $0x1;
	[bflag:$0x0] =	sbarrier.arrive $0xFFFF  }
0x45: {  	s31 =	simm.s32 $0x2;
	[sflag:s2] =	ssyncpa.u1 $0x1  }
0x46: {  	[sflag:s31] =	ssyncpa.u1 $0x1  }
0x47: {  	p0 =	sne.s32 s0, $0x0;
	_ =	strace $0x9000004A  }
0x48: {  	s0 =	sadd.s32 @!p0 $0x100000, s1;
	[bflag:$0x2] =	sbarrier.arrive $0xFFFF  }
0x49: {  	[sflag:s0] =	ssyncadd.tile.s32 @!p0 $0x1;
	_ =	shalt  }
.Lfunc_end1:
_tile_overlayer_lowered:
.L_overlay_start_2:
0x4a: {  	(tag) =	ssettag $0x2  }
0x4b: {  	s0 =	rddreg [dreg:$0x0];
	s2 =	stileid.u32  }
0x4c: {  	s1 =	rddreg [dreg:$0x1];
	p0 =	sne.s32 s2, $0x0  }
0x4d: {  	s3 =	rddreg [dreg:$0x2];
	[bflag:$0x3] =	sbarrier.arrive $0xFFFF;
	s2 =	simm.s32 @!p0 $0x1C01  }
0x4e: {  	[timem:s3], [sflag:s2] =	dma.local @!p0 [hbm:s0], s1  }
0x4f: {  	s0 =	simm.s32 @!p0 $0x1  }
0x50: {  	_ =	swait.ge @!p0 [sflag:s0], s1  }
0x51: {  	s1 =	ssub.s32 @!p0 $0x0, s1;
	[sflag:s0] =	ssyncset.done @!p0 $0x0  }
0x52: {  	[sflag:s0] =	ssyncadd.s32 @!p0 s1  }
0x53: {  	[bflag:$0x3] =	sbarrier.arrive $0xFFFF  }
0x54: {  	_ =	shalt  }

</sc_bundles>
